<compile_context>
chip_gen: v7x
topology: tpu7x:2x2x1
jax: 0.10.2.dev20260603
libtpu: 0.0.44.dev20260713+nightly
codegen_flags: <defaults>
</compile_context>

<pallas_src>
import functools

import jax
import jax.numpy as jnp
from jax import lax
from jax.experimental import pallas as pl
from jax.experimental.pallas import tpu as pltpu
from jax.experimental.pallas import tpu_sc as plsc

_NC = 2
_NS = 16
_NW = _NC * _NS
_LANES = 16
_TV = 1024


def _prep_body(v_ref, u_ref, cen_ref, cnt_ref, g_ref, idx_ref):
    voc = v_ref.shape[0]
    g_ref[0:voc, 0:voc] = lax.dot_general(
        v_ref[...], u_ref[...], (((1,), (1,)), ((), ())),
        preferred_element_type=jnp.float32,
        precision=lax.Precision.HIGHEST)
    idx_ref[...] = cen_ref[...] * _TV + cnt_ref[...]


@functools.lru_cache(maxsize=None)
def _make_sc_gather(B, K1):
    bcols = B // _NW
    bpw = bcols * K1
    mesh = plsc.VectorSubcoreMesh(core_axis_name="c", subcore_axis_name="s")

    @functools.partial(
        pl.kernel, mesh=mesh,
        out_type=jax.ShapeDtypeStruct((_NW, 2 * _LANES), jnp.float32),
        scratch_types=[
            pltpu.VMEM((bpw,), jnp.int32),
            pltpu.VMEM((bpw,), jnp.float32),
            pltpu.VMEM((2 * _LANES,), jnp.float32),
            pltpu.SemaphoreType.DMA,
            pltpu.SemaphoreType.DMA,
        ])
    def sc_fn(g_hbm, idx_hbm, out_hbm, idx_v, val_v, st_v, isem, gsem):
        wid = lax.axis_index("s") * _NC + lax.axis_index("c")
        base = wid * bcols
        idx_cps = [
            pltpu.async_copy(idx_hbm.at[k, pl.ds(base, bcols)],
                             idx_v.at[pl.ds(k * bcols, bcols)], isem)
            for k in range(K1)
        ]
        for cp in idx_cps:
            cp.wait()

        pltpu.async_copy(g_hbm.at[idx_v], val_v, gsem).wait()

        acc = jnp.zeros((_LANES,), jnp.float32)
        acc0 = jnp.zeros((_LANES,), jnp.float32)
        for i in range(bpw // _LANES):
            x = val_v[pl.ds(i * _LANES, _LANES)]
            acc = acc + jnp.exp(x)
            if i < bcols // _LANES:
                acc0 = acc0 + x
        st_v[pl.ds(0, _LANES)] = acc
        st_v[pl.ds(_LANES, _LANES)] = acc0
        pltpu.sync_copy(st_v, out_hbm.at[wid])

    return sc_fn


@functools.lru_cache(maxsize=None)
def _make_finalize(B):
    def _fin_body(p_ref, out_ref):
        s = jnp.sum(p_ref[:, 0:_LANES])
        l0 = jnp.sum(p_ref[:, _LANES:2 * _LANES])
        out_ref[...] = jnp.reshape(float(B) * jnp.log(s) - l0, (1, 1))

    return pl.pallas_call(
        _fin_body,
        out_shape=jax.ShapeDtypeStruct((1, 1), jnp.float32))


def kernel(V, U, centers, contexts_negs):
    voc, d = V.shape
    B = centers.shape[0]
    K1 = contexts_negs.shape[1]
    G, idx = pl.pallas_call(
        _prep_body,
        out_shape=(jax.ShapeDtypeStruct((_TV, _TV), jnp.float32),
                   jax.ShapeDtypeStruct((K1, B), jnp.int32)),
    )(V, U, centers[None, :], contexts_negs.T)
    esum_lsum = _make_sc_gather(B, K1)(G.reshape(_TV * _TV), idx)
    loss = _make_finalize(B)(esum_lsum)
    return loss[0, 0]

# --- scband reference (transcript-rebuilt; emitter-appended) ---
"""Pipeline reference for scband-skip-gram-73632919322919 (READ-ONLY COPY).

The authoritative reference and input builder live on the scoring server;
editing this copy changes nothing except your own understanding.
"""

import jax, jax.numpy as jnp
import numpy as np

VOCAB = 1000
EMB_DIM = 64
BATCH = 16384
NUM_NEGS = 5

def setup_inputs(seed: int = 0):
    key = jax.random.key(seed)
    k1, k2, k3, k4 = jax.random.split(key, 4)
    V = jax.random.uniform(k1, (VOCAB, EMB_DIM), minval=-1.0, maxval=1.0, dtype=jnp.float32)
    U = jax.random.uniform(k2, (VOCAB, EMB_DIM), minval=-1.0, maxval=1.0, dtype=jnp.float32)
    centers = jax.random.randint(k3, (BATCH,), 0, VOCAB, dtype=jnp.int32)
    contexts_negs = jax.random.randint(k4, (BATCH, NUM_NEGS + 1), 0, VOCAB, dtype=jnp.int32)
    return {"V": V, "U": U, "centers": centers, "contexts_negs": contexts_negs}

def reference(V, U, centers, contexts_negs):
    # centers embedding lookup -> [B, 1, d]
    c = jnp.take(V, centers, axis=0)[:, None, :]
    # context/negative embedding lookup -> [B, K+1, d] -> permute -> [B, d, K+1]
    cn = jnp.take(U, contexts_negs, axis=0)
    cn = jnp.transpose(cn, (0, 2, 1))
    # logits: [B, 1, K+1] -> squeeze -> [B, K+1]
    logits = jnp.squeeze(jnp.matmul(c, cn), axis=1)
    # NOTE: faithful to original torch code -- softmax normalizes by the GLOBAL sum
    # over the whole batch (torch.sum with no dim), not per-row.
    e = jnp.exp(logits)
    predictions = e / jnp.sum(e)
    # targets: first column ones, rest zeros
    targets = jnp.zeros((logits.shape[0], NUM_NEGS + 1), dtype=jnp.float32).at[:, 0].set(1.0)
    loss = -1.0 * jnp.sum(targets * jnp.log(predictions))
    return loss

if __name__ == "__main__":
    import jax
    _d = setup_inputs()
    print(jax.jit(kernel)(*tuple(_d.values())))

</pallas_src>

<mosaic_0001>
#map = affine_map<(d0, d1) -> (0)>
#map1 = affine_map<(d0, d1) -> (0, 0)>
module attributes {stable_mosaic.version = 14 : i64} {
  func.func @sc_fn(%arg0: i32, %arg1: i32, %arg2: memref<1048576xf32, #tpu.memory_space<hbm>>, %arg3: memref<6x16384xi32, #tpu.memory_space<hbm>>, %arg4: memref<32x32xf32, #tpu.memory_space<hbm>>, %arg5: memref<3072xi32, #tpu.memory_space<vmem>>, %arg6: memref<3072xf32, #tpu.memory_space<vmem>>, %arg7: memref<32xf32, #tpu.memory_space<vmem>>, %arg8: memref<!tpu.dma_semaphore, #tpu.memory_space<semaphore_mem>>, %arg9: memref<!tpu.dma_semaphore, #tpu.memory_space<semaphore_mem>>) attributes {dimension_semantics = [#tpu.dimension_semantics<core_parallel>, #tpu.dimension_semantics<subcore_parallel>], iteration_bounds = array<i64: 2, 16>, scalar_prefetch = 0 : i64, scratch_operands = 5 : i64, tpu.core_type = #tpu.core_type<sc_vector_subcore>, window_params = [{transform_indices = #map}, {transform_indices = #map1}, {transform_indices = #map1}]} {
    %mul3A = arith.constant 2 : i32
    %mul3A_0 = arith.muli %arg1, %mul3A : i32
    %add3A = arith.addi %mul3A_0, %arg0 : i32
    %mul3A_1 = arith.constant 512 : i32
    %mul3A_2 = arith.muli %add3A, %mul3A_1 : i32
    %dma_start3A = arith.constant 0 : i32
    %dma_start3A_3 = arith.constant 0 : i32
    %dma_start3A_4 = tpu.memref_slice %arg5[%dma_start3A_3] : memref<3072xi32, #tpu.memory_space<vmem>> -> memref<512xi32, #tpu.memory_space<vmem>>
    %dma_start3A_5 = tpu.memref_slice %arg3[%dma_start3A, %mul3A_2] : memref<6x16384xi32, #tpu.memory_space<hbm>> -> memref<1x512xi32, #tpu.memory_space<hbm>>
    %dma_start3A_6 = tpu.memref_squeeze %dma_start3A_5 : memref<1x512xi32, #tpu.memory_space<hbm>> -> memref<512xi32, #tpu.memory_space<hbm>>
    %dma_start3A_7 = arith.constant 0 : i32
    %dma_start3A_8 = tpu.memref_slice %arg5[%dma_start3A_7] : memref<3072xi32, #tpu.memory_space<vmem>> -> memref<512xi32, #tpu.memory_space<vmem>>
    %dma_start3A_9 = tpu.memref_slice %arg3[%dma_start3A, %mul3A_2] : memref<6x16384xi32, #tpu.memory_space<hbm>> -> memref<1x512xi32, #tpu.memory_space<hbm>>
    %dma_start3A_10 = tpu.memref_squeeze %dma_start3A_9 : memref<1x512xi32, #tpu.memory_space<hbm>> -> memref<512xi32, #tpu.memory_space<hbm>>
    tpu.enqueue_dma source(%dma_start3A_10 : memref<512xi32, #tpu.memory_space<hbm>>) target(%dma_start3A_8 : memref<512xi32, #tpu.memory_space<vmem>>) target_semaphore(%arg8 : memref<!tpu.dma_semaphore, #tpu.memory_space<semaphore_mem>>)
    %dma_start3A_11 = arith.constant 1 : i32
    %dma_start3A_12 = arith.constant 512 : i32
    %dma_start3A_13 = tpu.memref_slice %arg5[%dma_start3A_12] : memref<3072xi32, #tpu.memory_space<vmem>> -> memref<512xi32, #tpu.memory_space<vmem>>
    %dma_start3A_14 = tpu.memref_slice %arg3[%dma_start3A_11, %mul3A_2] : memref<6x16384xi32, #tpu.memory_space<hbm>> -> memref<1x512xi32, #tpu.memory_space<hbm>>
    %dma_start3A_15 = tpu.memref_squeeze %dma_start3A_14 : memref<1x512xi32, #tpu.memory_space<hbm>> -> memref<512xi32, #tpu.memory_space<hbm>>
    %dma_start3A_16 = arith.constant 512 : i32
    %dma_start3A_17 = tpu.memref_slice %arg5[%dma_start3A_16] : memref<3072xi32, #tpu.memory_space<vmem>> -> memref<512xi32, #tpu.memory_space<vmem>>
    %dma_start3A_18 = tpu.memref_slice %arg3[%dma_start3A_11, %mul3A_2] : memref<6x16384xi32, #tpu.memory_space<hbm>> -> memref<1x512xi32, #tpu.memory_space<hbm>>
    %dma_start3A_19 = tpu.memref_squeeze %dma_start3A_18 : memref<1x512xi32, #tpu.memory_space<hbm>> -> memref<512xi32, #tpu.memory_space<hbm>>
    tpu.enqueue_dma source(%dma_start3A_19 : memref<512xi32, #tpu.memory_space<hbm>>) target(%dma_start3A_17 : memref<512xi32, #tpu.memory_space<vmem>>) target_semaphore(%arg8 : memref<!tpu.dma_semaphore, #tpu.memory_space<semaphore_mem>>)
    %dma_start3A_20 = arith.constant 2 : i32
    %dma_start3A_21 = arith.constant 1024 : i32
    %dma_start3A_22 = tpu.memref_slice %arg5[%dma_start3A_21] : memref<3072xi32, #tpu.memory_space<vmem>> -> memref<512xi32, #tpu.memory_space<vmem>>
    %dma_start3A_23 = tpu.memref_slice %arg3[%dma_start3A_20, %mul3A_2] : memref<6x16384xi32, #tpu.memory_space<hbm>> -> memref<1x512xi32, #tpu.memory_space<hbm>>
    %dma_start3A_24 = tpu.memref_squeeze %dma_start3A_23 : memref<1x512xi32, #tpu.memory_space<hbm>> -> memref<512xi32, #tpu.memory_space<hbm>>
    %dma_start3A_25 = arith.constant 1024 : i32
    %dma_start3A_26 = tpu.memref_slice %arg5[%dma_start3A_25] : memref<3072xi32, #tpu.memory_space<vmem>> -> memref<512xi32, #tpu.memory_space<vmem>>
    %dma_start3A_27 = tpu.memref_slice %arg3[%dma_start3A_20, %mul3A_2] : memref<6x16384xi32, #tpu.memory_space<hbm>> -> memref<1x512xi32, #tpu.memory_space<hbm>>
    %dma_start3A_28 = tpu.memref_squeeze %dma_start3A_27 : memref<1x512xi32, #tpu.memory_space<hbm>> -> memref<512xi32, #tpu.memory_space<hbm>>
    tpu.enqueue_dma source(%dma_start3A_28 : memref<512xi32, #tpu.memory_space<hbm>>) target(%dma_start3A_26 : memref<512xi32, #tpu.memory_space<vmem>>) target_semaphore(%arg8 : memref<!tpu.dma_semaphore, #tpu.memory_space<semaphore_mem>>)
    %dma_start3A_29 = arith.constant 3 : i32
    %dma_start3A_30 = arith.constant 1536 : i32
    %dma_start3A_31 = tpu.memref_slice %arg5[%dma_start3A_30] : memref<3072xi32, #tpu.memory_space<vmem>> -> memref<512xi32, #tpu.memory_space<vmem>>
    %dma_start3A_32 = tpu.memref_slice %arg3[%dma_start3A_29, %mul3A_2] : memref<6x16384xi32, #tpu.memory_space<hbm>> -> memref<1x512xi32, #tpu.memory_space<hbm>>
    %dma_start3A_33 = tpu.memref_squeeze %dma_start3A_32 : memref<1x512xi32, #tpu.memory_space<hbm>> -> memref<512xi32, #tpu.memory_space<hbm>>
    %dma_start3A_34 = arith.constant 1536 : i32
    %dma_start3A_35 = tpu.memref_slice %arg5[%dma_start3A_34] : memref<3072xi32, #tpu.memory_space<vmem>> -> memref<512xi32, #tpu.memory_space<vmem>>
    %dma_start3A_36 = tpu.memref_slice %arg3[%dma_start3A_29, %mul3A_2] : memref<6x16384xi32, #tpu.memory_space<hbm>> -> memref<1x512xi32, #tpu.memory_space<hbm>>
    %dma_start3A_37 = tpu.memref_squeeze %dma_start3A_36 : memref<1x512xi32, #tpu.memory_space<hbm>> -> memref<512xi32, #tpu.memory_space<hbm>>
    tpu.enqueue_dma source(%dma_start3A_37 : memref<512xi32, #tpu.memory_space<hbm>>) target(%dma_start3A_35 : memref<512xi32, #tpu.memory_space<vmem>>) target_semaphore(%arg8 : memref<!tpu.dma_semaphore, #tpu.memory_space<semaphore_mem>>)
    %dma_start3A_38 = arith.constant 4 : i32
    %dma_start3A_39 = arith.constant 2048 : i32
    %dma_start3A_40 = tpu.memref_slice %arg5[%dma_start3A_39] : memref<3072xi32, #tpu.memory_space<vmem>> -> memref<512xi32, #tpu.memory_space<vmem>>
    %dma_start3A_41 = tpu.memref_slice %arg3[%dma_start3A_38, %mul3A_2] : memref<6x16384xi32, #tpu.memory_space<hbm>> -> memref<1x512xi32, #tpu.memory_space<hbm>>
    %dma_start3A_42 = tpu.memref_squeeze %dma_start3A_41 : memref<1x512xi32, #tpu.memory_space<hbm>> -> memref<512xi32, #tpu.memory_space<hbm>>
    %dma_start3A_43 = arith.constant 2048 : i32
    %dma_start3A_44 = tpu.memref_slice %arg5[%dma_start3A_43] : memref<3072xi32, #tpu.memory_space<vmem>> -> memref<512xi32, #tpu.memory_space<vmem>>
    %dma_start3A_45 = tpu.memref_slice %arg3[%dma_start3A_38, %mul3A_2] : memref<6x16384xi32, #tpu.memory_space<hbm>> -> memref<1x512xi32, #tpu.memory_space<hbm>>
    %dma_start3A_46 = tpu.memref_squeeze %dma_start3A_45 : memref<1x512xi32, #tpu.memory_space<hbm>> -> memref<512xi32, #tpu.memory_space<hbm>>
    tpu.enqueue_dma source(%dma_start3A_46 : memref<512xi32, #tpu.memory_space<hbm>>) target(%dma_start3A_44 : memref<512xi32, #tpu.memory_space<vmem>>) target_semaphore(%arg8 : memref<!tpu.dma_semaphore, #tpu.memory_space<semaphore_mem>>)
    %dma_start3A_47 = arith.constant 5 : i32
    %dma_start3A_48 = arith.constant 2560 : i32
    %dma_start3A_49 = tpu.memref_slice %arg5[%dma_start3A_48] : memref<3072xi32, #tpu.memory_space<vmem>> -> memref<512xi32, #tpu.memory_space<vmem>>
    %dma_start3A_50 = tpu.memref_slice %arg3[%dma_start3A_47, %mul3A_2] : memref<6x16384xi32, #tpu.memory_space<hbm>> -> memref<1x512xi32, #tpu.memory_space<hbm>>
    %dma_start3A_51 = tpu.memref_squeeze %dma_start3A_50 : memref<1x512xi32, #tpu.memory_space<hbm>> -> memref<512xi32, #tpu.memory_space<hbm>>
    %dma_start3A_52 = arith.constant 2560 : i32
    %dma_start3A_53 = tpu.memref_slice %arg5[%dma_start3A_52] : memref<3072xi32, #tpu.memory_space<vmem>> -> memref<512xi32, #tpu.memory_space<vmem>>
    %dma_start3A_54 = tpu.memref_slice %arg3[%dma_start3A_47, %mul3A_2] : memref<6x16384xi32, #tpu.memory_space<hbm>> -> memref<1x512xi32, #tpu.memory_space<hbm>>
    %dma_start3A_55 = tpu.memref_squeeze %dma_start3A_54 : memref<1x512xi32, #tpu.memory_space<hbm>> -> memref<512xi32, #tpu.memory_space<hbm>>
    tpu.enqueue_dma source(%dma_start3A_55 : memref<512xi32, #tpu.memory_space<hbm>>) target(%dma_start3A_53 : memref<512xi32, #tpu.memory_space<vmem>>) target_semaphore(%arg8 : memref<!tpu.dma_semaphore, #tpu.memory_space<semaphore_mem>>)
    %dma_wait3A = arith.constant 0 : i32
    %dma_wait3A_56 = arith.constant 0 : i32
    %dma_wait3A_57 = tpu.memref_slice %arg5[%dma_wait3A_56] : memref<3072xi32, #tpu.memory_space<vmem>> -> memref<512xi32, #tpu.memory_space<vmem>>
    %dma_wait3A_58 = tpu.memref_slice %arg3[%dma_wait3A, %mul3A_2] : memref<6x16384xi32, #tpu.memory_space<hbm>> -> memref<1x512xi32, #tpu.memory_space<hbm>>
    %dma_wait3A_59 = tpu.memref_squeeze %dma_wait3A_58 : memref<1x512xi32, #tpu.memory_space<hbm>> -> memref<512xi32, #tpu.memory_space<hbm>>
    %dma_wait3A_60 = arith.constant 0 : i32
    %dma_wait3A_61 = tpu.memref_slice %arg5[%dma_wait3A_60] : memref<3072xi32, #tpu.memory_space<vmem>> -> memref<512xi32, #tpu.memory_space<vmem>>
    %dma_wait3A_62 = tpu.memref_slice %arg3[%dma_wait3A, %mul3A_2] : memref<6x16384xi32, #tpu.memory_space<hbm>> -> memref<1x512xi32, #tpu.memory_space<hbm>>
    %dma_wait3A_63 = tpu.memref_squeeze %dma_wait3A_62 : memref<1x512xi32, #tpu.memory_space<hbm>> -> memref<512xi32, #tpu.memory_space<hbm>>
    tpu.wait_dma2 semaphore(%arg8 : memref<!tpu.dma_semaphore, #tpu.memory_space<semaphore_mem>>) src(%dma_wait3A_63 : memref<512xi32, #tpu.memory_space<hbm>>) dst(%dma_wait3A_61 : memref<512xi32, #tpu.memory_space<vmem>>)
    %dma_wait3A_64 = arith.constant 1 : i32
    %dma_wait3A_65 = arith.constant 512 : i32
    %dma_wait3A_66 = tpu.memref_slice %arg5[%dma_wait3A_65] : memref<3072xi32, #tpu.memory_space<vmem>> -> memref<512xi32, #tpu.memory_space<vmem>>
    %dma_wait3A_67 = tpu.memref_slice %arg3[%dma_wait3A_64, %mul3A_2] : memref<6x16384xi32, #tpu.memory_space<hbm>> -> memref<1x512xi32, #tpu.memory_space<hbm>>
    %dma_wait3A_68 = tpu.memref_squeeze %dma_wait3A_67 : memref<1x512xi32, #tpu.memory_space<hbm>> -> memref<512xi32, #tpu.memory_space<hbm>>
    %dma_wait3A_69 = arith.constant 512 : i32
    %dma_wait3A_70 = tpu.memref_slice %arg5[%dma_wait3A_69] : memref<3072xi32, #tpu.memory_space<vmem>> -> memref<512xi32, #tpu.memory_space<vmem>>
    %dma_wait3A_71 = tpu.memref_slice %arg3[%dma_wait3A_64, %mul3A_2] : memref<6x16384xi32, #tpu.memory_space<hbm>> -> memref<1x512xi32, #tpu.memory_space<hbm>>
    %dma_wait3A_72 = tpu.memref_squeeze %dma_wait3A_71 : memref<1x512xi32, #tpu.memory_space<hbm>> -> memref<512xi32, #tpu.memory_space<hbm>>
    tpu.wait_dma2 semaphore(%arg8 : memref<!tpu.dma_semaphore, #tpu.memory_space<semaphore_mem>>) src(%dma_wait3A_72 : memref<512xi32, #tpu.memory_space<hbm>>) dst(%dma_wait3A_70 : memref<512xi32, #tpu.memory_space<vmem>>)
    %dma_wait3A_73 = arith.constant 2 : i32
    %dma_wait3A_74 = arith.constant 1024 : i32
    %dma_wait3A_75 = tpu.memref_slice %arg5[%dma_wait3A_74] : memref<3072xi32, #tpu.memory_space<vmem>> -> memref<512xi32, #tpu.memory_space<vmem>>
    %dma_wait3A_76 = tpu.memref_slice %arg3[%dma_wait3A_73, %mul3A_2] : memref<6x16384xi32, #tpu.memory_space<hbm>> -> memref<1x512xi32, #tpu.memory_space<hbm>>
    %dma_wait3A_77 = tpu.memref_squeeze %dma_wait3A_76 : memref<1x512xi32, #tpu.memory_space<hbm>> -> memref<512xi32, #tpu.memory_space<hbm>>
    %dma_wait3A_78 = arith.constant 1024 : i32
    %dma_wait3A_79 = tpu.memref_slice %arg5[%dma_wait3A_78] : memref<3072xi32, #tpu.memory_space<vmem>> -> memref<512xi32, #tpu.memory_space<vmem>>
    %dma_wait3A_80 = tpu.memref_slice %arg3[%dma_wait3A_73, %mul3A_2] : memref<6x16384xi32, #tpu.memory_space<hbm>> -> memref<1x512xi32, #tpu.memory_space<hbm>>
    %dma_wait3A_81 = tpu.memref_squeeze %dma_wait3A_80 : memref<1x512xi32, #tpu.memory_space<hbm>> -> memref<512xi32, #tpu.memory_space<hbm>>
    tpu.wait_dma2 semaphore(%arg8 : memref<!tpu.dma_semaphore, #tpu.memory_space<semaphore_mem>>) src(%dma_wait3A_81 : memref<512xi32, #tpu.memory_space<hbm>>) dst(%dma_wait3A_79 : memref<512xi32, #tpu.memory_space<vmem>>)
    %dma_wait3A_82 = arith.constant 3 : i32
    %dma_wait3A_83 = arith.constant 1536 : i32
    %dma_wait3A_84 = tpu.memref_slice %arg5[%dma_wait3A_83] : memref<3072xi32, #tpu.memory_space<vmem>> -> memref<512xi32, #tpu.memory_space<vmem>>
    %dma_wait3A_85 = tpu.memref_slice %arg3[%dma_wait3A_82, %mul3A_2] : memref<6x16384xi32, #tpu.memory_space<hbm>> -> memref<1x512xi32, #tpu.memory_space<hbm>>
    %dma_wait3A_86 = tpu.memref_squeeze %dma_wait3A_85 : memref<1x512xi32, #tpu.memory_space<hbm>> -> memref<512xi32, #tpu.memory_space<hbm>>
    %dma_wait3A_87 = arith.constant 1536 : i32
    %dma_wait3A_88 = tpu.memref_slice %arg5[%dma_wait3A_87] : memref<3072xi32, #tpu.memory_space<vmem>> -> memref<512xi32, #tpu.memory_space<vmem>>
    %dma_wait3A_89 = tpu.memref_slice %arg3[%dma_wait3A_82, %mul3A_2] : memref<6x16384xi32, #tpu.memory_space<hbm>> -> memref<1x512xi32, #tpu.memory_space<hbm>>
    %dma_wait3A_90 = tpu.memref_squeeze %dma_wait3A_89 : memref<1x512xi32, #tpu.memory_space<hbm>> -> memref<512xi32, #tpu.memory_space<hbm>>
    tpu.wait_dma2 semaphore(%arg8 : memref<!tpu.dma_semaphore, #tpu.memory_space<semaphore_mem>>) src(%dma_wait3A_90 : memref<512xi32, #tpu.memory_space<hbm>>) dst(%dma_wait3A_88 : memref<512xi32, #tpu.memory_space<vmem>>)
    %dma_wait3A_91 = arith.constant 4 : i32
    %dma_wait3A_92 = arith.constant 2048 : i32
    %dma_wait3A_93 = tpu.memref_slice %arg5[%dma_wait3A_92] : memref<3072xi32, #tpu.memory_space<vmem>> -> memref<512xi32, #tpu.memory_space<vmem>>
    %dma_wait3A_94 = tpu.memref_slice %arg3[%dma_wait3A_91, %mul3A_2] : memref<6x16384xi32, #tpu.memory_space<hbm>> -> memref<1x512xi32, #tpu.memory_space<hbm>>
    %dma_wait3A_95 = tpu.memref_squeeze %dma_wait3A_94 : memref<1x512xi32, #tpu.memory_space<hbm>> -> memref<512xi32, #tpu.memory_space<hbm>>
    %dma_wait3A_96 = arith.constant 2048 : i32
    %dma_wait3A_97 = tpu.memref_slice %arg5[%dma_wait3A_96] : memref<3072xi32, #tpu.memory_space<vmem>> -> memref<512xi32, #tpu.memory_space<vmem>>
    %dma_wait3A_98 = tpu.memref_slice %arg3[%dma_wait3A_91, %mul3A_2] : memref<6x16384xi32, #tpu.memory_space<hbm>> -> memref<1x512xi32, #tpu.memory_space<hbm>>
    %dma_wait3A_99 = tpu.memref_squeeze %dma_wait3A_98 : memref<1x512xi32, #tpu.memory_space<hbm>> -> memref<512xi32, #tpu.memory_space<hbm>>
    tpu.wait_dma2 semaphore(%arg8 : memref<!tpu.dma_semaphore, #tpu.memory_space<semaphore_mem>>) src(%dma_wait3A_99 : memref<512xi32, #tpu.memory_space<hbm>>) dst(%dma_wait3A_97 : memref<512xi32, #tpu.memory_space<vmem>>)
    %dma_wait3A_100 = arith.constant 5 : i32
    %dma_wait3A_101 = arith.constant 2560 : i32
    %dma_wait3A_102 = tpu.memref_slice %arg5[%dma_wait3A_101] : memref<3072xi32, #tpu.memory_space<vmem>> -> memref<512xi32, #tpu.memory_space<vmem>>
    %dma_wait3A_103 = tpu.memref_slice %arg3[%dma_wait3A_100, %mul3A_2] : memref<6x16384xi32, #tpu.memory_space<hbm>> -> memref<1x512xi32, #tpu.memory_space<hbm>>
    %dma_wait3A_104 = tpu.memref_squeeze %dma_wait3A_103 : memref<1x512xi32, #tpu.memory_space<hbm>> -> memref<512xi32, #tpu.memory_space<hbm>>
    %dma_wait3A_105 = arith.constant 2560 : i32
    %dma_wait3A_106 = tpu.memref_slice %arg5[%dma_wait3A_105] : memref<3072xi32, #tpu.memory_space<vmem>> -> memref<512xi32, #tpu.memory_space<vmem>>
    %dma_wait3A_107 = tpu.memref_slice %arg3[%dma_wait3A_100, %mul3A_2] : memref<6x16384xi32, #tpu.memory_space<hbm>> -> memref<1x512xi32, #tpu.memory_space<hbm>>
    %dma_wait3A_108 = tpu.memref_squeeze %dma_wait3A_107 : memref<1x512xi32, #tpu.memory_space<hbm>> -> memref<512xi32, #tpu.memory_space<hbm>>
    tpu.wait_dma2 semaphore(%arg8 : memref<!tpu.dma_semaphore, #tpu.memory_space<semaphore_mem>>) src(%dma_wait3A_108 : memref<512xi32, #tpu.memory_space<hbm>>) dst(%dma_wait3A_106 : memref<512xi32, #tpu.memory_space<vmem>>)
    %dma_start3A_109 = arith.constant 0 : i32
    %dma_start3A_110 = tpu.memref_slice %arg2[%dma_start3A_109] : memref<1048576xf32, #tpu.memory_space<hbm>> -> memref<1048576xf32, #tpu.memory_space<hbm>>
    tpu.enqueue_indirect_dma source(%dma_start3A_110 : memref<1048576xf32, #tpu.memory_space<hbm>>) target(%arg6 : memref<3072xf32, #tpu.memory_space<vmem>>) offsets(%arg5 : memref<3072xi32, #tpu.memory_space<vmem>>) semaphore(%arg9 : memref<!tpu.dma_semaphore, #tpu.memory_space<semaphore_mem>>)
    %dma_wait3A_111 = arith.constant 0 : i32
    %dma_wait3A_112 = tpu.memref_slice %arg2[%dma_wait3A_111] : memref<1048576xf32, #tpu.memory_space<hbm>> -> memref<1048576xf32, #tpu.memory_space<hbm>>
    tpu.wait_indirect_dma semaphore(%arg9 : memref<!tpu.dma_semaphore, #tpu.memory_space<semaphore_mem>>) src(%dma_wait3A_112 : memref<1048576xf32, #tpu.memory_space<hbm>>) dst(%arg6 : memref<3072xf32, #tpu.memory_space<vmem>>)
    %broadcast_in_dim3A = arith.constant 0.000000e+00 : f32
    %broadcast_in_dim3A_113 = vector.broadcast %broadcast_in_dim3A : f32 to vector<16xf32>
    %broadcast_in_dim3A_114 = arith.constant 0.000000e+00 : f32
    %broadcast_in_dim3A_115 = vector.broadcast %broadcast_in_dim3A_114 : f32 to vector<16xf32>
    %get3A = arith.constant 0 : index
    %get3A_116 = tpu.vector_load %arg6[%get3A] {strides = array<i32>} : memref<3072xf32, #tpu.memory_space<vmem>>, vector<16xf32>,
    %get3A_117 = vector.shape_cast %get3A_116 : vector<16xf32> to vector<16xf32>
    %exp3A = math.exp %get3A_117 : vector<16xf32>
    %add3A_118 = arith.addf %broadcast_in_dim3A_113, %exp3A : vector<16xf32>
    %add3A_119 = arith.addf %broadcast_in_dim3A_115, %get3A_117 : vector<16xf32>
    %get3A_120 = arith.constant 16 : index
    %get3A_121 = tpu.vector_load %arg6[%get3A_120] {strides = array<i32>} : memref<3072xf32, #tpu.memory_space<vmem>>, vector<16xf32>,
    %get3A_122 = vector.shape_cast %get3A_121 : vector<16xf32> to vector<16xf32>
    %exp3A_123 = math.exp %get3A_122 : vector<16xf32>
    %add3A_124 = arith.addf %add3A_118, %exp3A_123 : vector<16xf32>
    %add3A_125 = arith.addf %add3A_119, %get3A_122 : vector<16xf32>
    %get3A_126 = arith.constant 32 : index
    %get3A_127 = tpu.vector_load %arg6[%get3A_126] {strides = array<i32>} : memref<3072xf32, #tpu.memory_space<vmem>>, vector<16xf32>,
    %get3A_128 = vector.shape_cast %get3A_127 : vector<16xf32> to vector<16xf32>
    %exp3A_129 = math.exp %get3A_128 : vector<16xf32>
    %add3A_130 = arith.addf %add3A_124, %exp3A_129 : vector<16xf32>
    %add3A_131 = arith.addf %add3A_125, %get3A_128 : vector<16xf32>
    %get3A_132 = arith.constant 48 : index
    %get3A_133 = tpu.vector_load %arg6[%get3A_132] {strides = array<i32>} : memref<3072xf32, #tpu.memory_space<vmem>>, vector<16xf32>,
    %get3A_134 = vector.shape_cast %get3A_133 : vector<16xf32> to vector<16xf32>
    %exp3A_135 = math.exp %get3A_134 : vector<16xf32>
    %add3A_136 = arith.addf %add3A_130, %exp3A_135 : vector<16xf32>
    %add3A_137 = arith.addf %add3A_131, %get3A_134 : vector<16xf32>
    %get3A_138 = arith.constant 64 : index
    %get3A_139 = tpu.vector_load %arg6[%get3A_138] {strides = array<i32>} : memref<3072xf32, #tpu.memory_space<vmem>>, vector<16xf32>,
    %get3A_140 = vector.shape_cast %get3A_139 : vector<16xf32> to vector<16xf32>
    %exp3A_141 = math.exp %get3A_140 : vector<16xf32>
    %add3A_142 = arith.addf %add3A_136, %exp3A_141 : vector<16xf32>
    %add3A_143 = arith.addf %add3A_137, %get3A_140 : vector<16xf32>
    %get3A_144 = arith.constant 80 : index
    %get3A_145 = tpu.vector_load %arg6[%get3A_144] {strides = array<i32>} : memref<3072xf32, #tpu.memory_space<vmem>>, vector<16xf32>,
    %get3A_146 = vector.shape_cast %get3A_145 : vector<16xf32> to vector<16xf32>
    %exp3A_147 = math.exp %get3A_146 : vector<16xf32>
    %add3A_148 = arith.addf %add3A_142, %exp3A_147 : vector<16xf32>
    %add3A_149 = arith.addf %add3A_143, %get3A_146 : vector<16xf32>
    %get3A_150 = arith.constant 96 : index
    %get3A_151 = tpu.vector_load %arg6[%get3A_150] {strides = array<i32>} : memref<3072xf32, #tpu.memory_space<vmem>>, vector<16xf32>,
    %get3A_152 = vector.shape_cast %get3A_151 : vector<16xf32> to vector<16xf32>
    %exp3A_153 = math.exp %get3A_152 : vector<16xf32>
    %add3A_154 = arith.addf %add3A_148, %exp3A_153 : vector<16xf32>
    %add3A_155 = arith.addf %add3A_149, %get3A_152 : vector<16xf32>
    %get3A_156 = arith.constant 112 : index
    %get3A_157 = tpu.vector_load %arg6[%get3A_156] {strides = array<i32>} : memref<3072xf32, #tpu.memory_space<vmem>>, vector<16xf32>,
    %get3A_158 = vector.shape_cast %get3A_157 : vector<16xf32> to vector<16xf32>
    %exp3A_159 = math.exp %get3A_158 : vector<16xf32>
    %add3A_160 = arith.addf %add3A_154, %exp3A_159 : vector<16xf32>
    %add3A_161 = arith.addf %add3A_155, %get3A_158 : vector<16xf32>
    %get3A_162 = arith.constant 128 : index
    %get3A_163 = tpu.vector_load %arg6[%get3A_162] {strides = array<i32>} : memref<3072xf32, #tpu.memory_space<vmem>>, vector<16xf32>,
    %get3A_164 = vector.shape_cast %get3A_163 : vector<16xf32> to vector<16xf32>
    %exp3A_165 = math.exp %get3A_164 : vector<16xf32>
    %add3A_166 = arith.addf %add3A_160, %exp3A_165 : vector<16xf32>
    %add3A_167 = arith.addf %add3A_161, %get3A_164 : vector<16xf32>
    %get3A_168 = arith.constant 144 : index
    %get3A_169 = tpu.vector_load %arg6[%get3A_168] {strides = array<i32>} : memref<3072xf32, #tpu.memory_space<vmem>>, vector<16xf32>,
    %get3A_170 = vector.shape_cast %get3A_169 : vector<16xf32> to vector<16xf32>
    %exp3A_171 = math.exp %get3A_170 : vector<16xf32>
    %add3A_172 = arith.addf %add3A_166, %exp3A_171 : vector<16xf32>
    %add3A_173 = arith.addf %add3A_167, %get3A_170 : vector<16xf32>
    %get3A_174 = arith.constant 160 : index
    %get3A_175 = tpu.vector_load %arg6[%get3A_174] {strides = array<i32>} : memref<3072xf32, #tpu.memory_space<vmem>>, vector<16xf32>,
    %get3A_176 = vector.shape_cast %get3A_175 : vector<16xf32> to vector<16xf32>
    %exp3A_177 = math.exp %get3A_176 : vector<16xf32>
    %add3A_178 = arith.addf %add3A_172, %exp3A_177 : vector<16xf32>
    %add3A_179 = arith.addf %add3A_173, %get3A_176 : vector<16xf32>
    %get3A_180 = arith.constant 176 : index
    %get3A_181 = tpu.vector_load %arg6[%get3A_180] {strides = array<i32>} : memref<3072xf32, #tpu.memory_space<vmem>>, vector<16xf32>,
    %get3A_182 = vector.shape_cast %get3A_181 : vector<16xf32> to vector<16xf32>
    %exp3A_183 = math.exp %get3A_182 : vector<16xf32>
    %add3A_184 = arith.addf %add3A_178, %exp3A_183 : vector<16xf32>
    %add3A_185 = arith.addf %add3A_179, %get3A_182 : vector<16xf32>
    %get3A_186 = arith.constant 192 : index
    %get3A_187 = tpu.vector_load %arg6[%get3A_186] {strides = array<i32>} : memref<3072xf32, #tpu.memory_space<vmem>>, vector<16xf32>,
    %get3A_188 = vector.shape_cast %get3A_187 : vector<16xf32> to vector<16xf32>
    %exp3A_189 = math.exp %get3A_188 : vector<16xf32>
    %add3A_190 = arith.addf %add3A_184, %exp3A_189 : vector<16xf32>
    %add3A_191 = arith.addf %add3A_185, %get3A_188 : vector<16xf32>
    %get3A_192 = arith.constant 208 : index
    %get3A_193 = tpu.vector_load %arg6[%get3A_192] {strides = array<i32>} : memref<3072xf32, #tpu.memory_space<vmem>>, vector<16xf32>,
    %get3A_194 = vector.shape_cast %get3A_193 : vector<16xf32> to vector<16xf32>
    %exp3A_195 = math.exp %get3A_194 : vector<16xf32>
    %add3A_196 = arith.addf %add3A_190, %exp3A_195 : vector<16xf32>
    %add3A_197 = arith.addf %add3A_191, %get3A_194 : vector<16xf32>
    %get3A_198 = arith.constant 224 : index
    %get3A_199 = tpu.vector_load %arg6[%get3A_198] {strides = array<i32>} : memref<3072xf32, #tpu.memory_space<vmem>>, vector<16xf32>,
    %get3A_200 = vector.shape_cast %get3A_199 : vector<16xf32> to vector<16xf32>
    %exp3A_201 = math.exp %get3A_200 : vector<16xf32>
    %add3A_202 = arith.addf %add3A_196, %exp3A_201 : vector<16xf32>
    %add3A_203 = arith.addf %add3A_197, %get3A_200 : vector<16xf32>
    %get3A_204 = arith.constant 240 : index
    %get3A_205 = tpu.vector_load %arg6[%get3A_204] {strides = array<i32>} : memref<3072xf32, #tpu.memory_space<vmem>>, vector<16xf32>,
    %get3A_206 = vector.shape_cast %get3A_205 : vector<16xf32> to vector<16xf32>
    %exp3A_207 = math.exp %get3A_206 : vector<16xf32>
    %add3A_208 = arith.addf %add3A_202, %exp3A_207 : vector<16xf32>
    %add3A_209 = arith.addf %add3A_203, %get3A_206 : vector<16xf32>
    %get3A_210 = arith.constant 256 : index
    %get3A_211 = tpu.vector_load %arg6[%get3A_210] {strides = array<i32>} : memref<3072xf32, #tpu.memory_space<vmem>>, vector<16xf32>,
    %get3A_212 = vector.shape_cast %get3A_211 : vector<16xf32> to vector<16xf32>
    %exp3A_213 = math.exp %get3A_212 : vector<16xf32>
    %add3A_214 = arith.addf %add3A_208, %exp3A_213 : vector<16xf32>
    %add3A_215 = arith.addf %add3A_209, %get3A_212 : vector<16xf32>
    %get3A_216 = arith.constant 272 : index
    %get3A_217 = tpu.vector_load %arg6[%get3A_216] {strides = array<i32>} : memref<3072xf32, #tpu.memory_space<vmem>>, vector<16xf32>,
    %get3A_218 = vector.shape_cast %get3A_217 : vector<16xf32> to vector<16xf32>
    %exp3A_219 = math.exp %get3A_218 : vector<16xf32>
    %add3A_220 = arith.addf %add3A_214, %exp3A_219 : vector<16xf32>
    %add3A_221 = arith.addf %add3A_215, %get3A_218 : vector<16xf32>
    %get3A_222 = arith.constant 288 : index
    %get3A_223 = tpu.vector_load %arg6[%get3A_222] {strides = array<i32>} : memref<3072xf32, #tpu.memory_space<vmem>>, vector<16xf32>,
    %get3A_224 = vector.shape_cast %get3A_223 : vector<16xf32> to vector<16xf32>
    %exp3A_225 = math.exp %get3A_224 : vector<16xf32>
    %add3A_226 = arith.addf %add3A_220, %exp3A_225 : vector<16xf32>
    %add3A_227 = arith.addf %add3A_221, %get3A_224 : vector<16xf32>
    %get3A_228 = arith.constant 304 : index
    %get3A_229 = tpu.vector_load %arg6[%get3A_228] {strides = array<i32>} : memref<3072xf32, #tpu.memory_space<vmem>>, vector<16xf32>,
    %get3A_230 = vector.shape_cast %get3A_229 : vector<16xf32> to vector<16xf32>
    %exp3A_231 = math.exp %get3A_230 : vector<16xf32>
    %add3A_232 = arith.addf %add3A_226, %exp3A_231 : vector<16xf32>
    %add3A_233 = arith.addf %add3A_227, %get3A_230 : vector<16xf32>
    %get3A_234 = arith.constant 320 : index
    %get3A_235 = tpu.vector_load %arg6[%get3A_234] {strides = array<i32>} : memref<3072xf32, #tpu.memory_space<vmem>>, vector<16xf32>,
    %get3A_236 = vector.shape_cast %get3A_235 : vector<16xf32> to vector<16xf32>
    %exp3A_237 = math.exp %get3A_236 : vector<16xf32>
    %add3A_238 = arith.addf %add3A_232, %exp3A_237 : vector<16xf32>
    %add3A_239 = arith.addf %add3A_233, %get3A_236 : vector<16xf32>
    %get3A_240 = arith.constant 336 : index
    %get3A_241 = tpu.vector_load %arg6[%get3A_240] {strides = array<i32>} : memref<3072xf32, #tpu.memory_space<vmem>>, vector<16xf32>,
    %get3A_242 = vector.shape_cast %get3A_241 : vector<16xf32> to vector<16xf32>
    %exp3A_243 = math.exp %get3A_242 : vector<16xf32>
    %add3A_244 = arith.addf %add3A_238, %exp3A_243 : vector<16xf32>
    %add3A_245 = arith.addf %add3A_239, %get3A_242 : vector<16xf32>
    %get3A_246 = arith.constant 352 : index
    %get3A_247 = tpu.vector_load %arg6[%get3A_246] {strides = array<i32>} : memref<3072xf32, #tpu.memory_space<vmem>>, vector<16xf32>,
    %get3A_248 = vector.shape_cast %get3A_247 : vector<16xf32> to vector<16xf32>
    %exp3A_249 = math.exp %get3A_248 : vector<16xf32>
    %add3A_250 = arith.addf %add3A_244, %exp3A_249 : vector<16xf32>
    %add3A_251 = arith.addf %add3A_245, %get3A_248 : vector<16xf32>
    %get3A_252 = arith.constant 368 : index
    %get3A_253 = tpu.vector_load %arg6[%get3A_252] {strides = array<i32>} : memref<3072xf32, #tpu.memory_space<vmem>>, vector<16xf32>,
    %get3A_254 = vector.shape_cast %get3A_253 : vector<16xf32> to vector<16xf32>
    %exp3A_255 = math.exp %get3A_254 : vector<16xf32>
    %add3A_256 = arith.addf %add3A_250, %exp3A_255 : vector<16xf32>
    %add3A_257 = arith.addf %add3A_251, %get3A_254 : vector<16xf32>
    %get3A_258 = arith.constant 384 : index
    %get3A_259 = tpu.vector_load %arg6[%get3A_258] {strides = array<i32>} : memref<3072xf32, #tpu.memory_space<vmem>>, vector<16xf32>,
    %get3A_260 = vector.shape_cast %get3A_259 : vector<16xf32> to vector<16xf32>
    %exp3A_261 = math.exp %get3A_260 : vector<16xf32>
    %add3A_262 = arith.addf %add3A_256, %exp3A_261 : vector<16xf32>
    %add3A_263 = arith.addf %add3A_257, %get3A_260 : vector<16xf32>
    %get3A_264 = arith.constant 400 : index
    %get3A_265 = tpu.vector_load %arg6[%get3A_264] {strides = array<i32>} : memref<3072xf32, #tpu.memory_space<vmem>>, vector<16xf32>,
    %get3A_266 = vector.shape_cast %get3A_265 : vector<16xf32> to vector<16xf32>
    %exp3A_267 = math.exp %get3A_266 : vector<16xf32>
    %add3A_268 = arith.addf %add3A_262, %exp3A_267 : vector<16xf32>
    %add3A_269 = arith.addf %add3A_263, %get3A_266 : vector<16xf32>
    %get3A_270 = arith.constant 416 : index
    %get3A_271 = tpu.vector_load %arg6[%get3A_270] {strides = array<i32>} : memref<3072xf32, #tpu.memory_space<vmem>>, vector<16xf32>,
    %get3A_272 = vector.shape_cast %get3A_271 : vector<16xf32> to vector<16xf32>
    %exp3A_273 = math.exp %get3A_272 : vector<16xf32>
    %add3A_274 = arith.addf %add3A_268, %exp3A_273 : vector<16xf32>
    %add3A_275 = arith.addf %add3A_269, %get3A_272 : vector<16xf32>
    %get3A_276 = arith.constant 432 : index
    %get3A_277 = tpu.vector_load %arg6[%get3A_276] {strides = array<i32>} : memref<3072xf32, #tpu.memory_space<vmem>>, vector<16xf32>,
    %get3A_278 = vector.shape_cast %get3A_277 : vector<16xf32> to vector<16xf32>
    %exp3A_279 = math.exp %get3A_278 : vector<16xf32>
    %add3A_280 = arith.addf %add3A_274, %exp3A_279 : vector<16xf32>
    %add3A_281 = arith.addf %add3A_275, %get3A_278 : vector<16xf32>
    %get3A_282 = arith.constant 448 : index
    %get3A_283 = tpu.vector_load %arg6[%get3A_282] {strides = array<i32>} : memref<3072xf32, #tpu.memory_space<vmem>>, vector<16xf32>,
    %get3A_284 = vector.shape_cast %get3A_283 : vector<16xf32> to vector<16xf32>
    %exp3A_285 = math.exp %get3A_284 : vector<16xf32>
    %add3A_286 = arith.addf %add3A_280, %exp3A_285 : vector<16xf32>
    %add3A_287 = arith.addf %add3A_281, %get3A_284 : vector<16xf32>
    %get3A_288 = arith.constant 464 : index
    %get3A_289 = tpu.vector_load %arg6[%get3A_288] {strides = array<i32>} : memref<3072xf32, #tpu.memory_space<vmem>>, vector<16xf32>,
    %get3A_290 = vector.shape_cast %get3A_289 : vector<16xf32> to vector<16xf32>
    %exp3A_291 = math.exp %get3A_290 : vector<16xf32>
    %add3A_292 = arith.addf %add3A_286, %exp3A_291 : vector<16xf32>
    %add3A_293 = arith.addf %add3A_287, %get3A_290 : vector<16xf32>
    %get3A_294 = arith.constant 480 : index
    %get3A_295 = tpu.vector_load %arg6[%get3A_294] {strides = array<i32>} : memref<3072xf32, #tpu.memory_space<vmem>>, vector<16xf32>,
    %get3A_296 = vector.shape_cast %get3A_295 : vector<16xf32> to vector<16xf32>
    %exp3A_297 = math.exp %get3A_296 : vector<16xf32>
    %add3A_298 = arith.addf %add3A_292, %exp3A_297 : vector<16xf32>
    %add3A_299 = arith.addf %add3A_293, %get3A_296 : vector<16xf32>
    %get3A_300 = arith.constant 496 : index
    %get3A_301 = tpu.vector_load %arg6[%get3A_300] {strides = array<i32>} : memref<3072xf32, #tpu.memory_space<vmem>>, vector<16xf32>,
    %get3A_302 = vector.shape_cast %get3A_301 : vector<16xf32> to vector<16xf32>
    %exp3A_303 = math.exp %get3A_302 : vector<16xf32>
    %add3A_304 = arith.addf %add3A_298, %exp3A_303 : vector<16xf32>
    %add3A_305 = arith.addf %add3A_299, %get3A_302 : vector<16xf32>
    %get3A_306 = arith.constant 512 : index
    %get3A_307 = tpu.vector_load %arg6[%get3A_306] {strides = array<i32>} : memref<3072xf32, #tpu.memory_space<vmem>>, vector<16xf32>,
    %get3A_308 = vector.shape_cast %get3A_307 : vector<16xf32> to vector<16xf32>
    %exp3A_309 = math.exp %get3A_308 : vector<16xf32>
    %add3A_310 = arith.addf %add3A_304, %exp3A_309 : vector<16xf32>
    %get3A_311 = arith.constant 528 : index
    %get3A_312 = tpu.vector_load %arg6[%get3A_311] {strides = array<i32>} : memref<3072xf32, #tpu.memory_space<vmem>>, vector<16xf32>,
    %get3A_313 = vector.shape_cast %get3A_312 : vector<16xf32> to vector<16xf32>
    %exp3A_314 = math.exp %get3A_313 : vector<16xf32>
    %add3A_315 = arith.addf %add3A_310, %exp3A_314 : vector<16xf32>
    %get3A_316 = arith.constant 544 : index
    %get3A_317 = tpu.vector_load %arg6[%get3A_316] {strides = array<i32>} : memref<3072xf32, #tpu.memory_space<vmem>>, vector<16xf32>,
    %get3A_318 = vector.shape_cast %get3A_317 : vector<16xf32> to vector<16xf32>
    %exp3A_319 = math.exp %get3A_318 : vector<16xf32>
    %add3A_320 = arith.addf %add3A_315, %exp3A_319 : vector<16xf32>
    %get3A_321 = arith.constant 560 : index
    %get3A_322 = tpu.vector_load %arg6[%get3A_321] {strides = array<i32>} : memref<3072xf32, #tpu.memory_space<vmem>>, vector<16xf32>,
    %get3A_323 = vector.shape_cast %get3A_322 : vector<16xf32> to vector<16xf32>
    %exp3A_324 = math.exp %get3A_323 : vector<16xf32>
    %add3A_325 = arith.addf %add3A_320, %exp3A_324 : vector<16xf32>
    %get3A_326 = arith.constant 576 : index
    %get3A_327 = tpu.vector_load %arg6[%get3A_326] {strides = array<i32>} : memref<3072xf32, #tpu.memory_space<vmem>>, vector<16xf32>,
    %get3A_328 = vector.shape_cast %get3A_327 : vector<16xf32> to vector<16xf32>
    %exp3A_329 = math.exp %get3A_328 : vector<16xf32>
    %add3A_330 = arith.addf %add3A_325, %exp3A_329 : vector<16xf32>
    %get3A_331 = arith.constant 592 : index
    %get3A_332 = tpu.vector_load %arg6[%get3A_331] {strides = array<i32>} : memref<3072xf32, #tpu.memory_space<vmem>>, vector<16xf32>,
    %get3A_333 = vector.shape_cast %get3A_332 : vector<16xf32> to vector<16xf32>
    %exp3A_334 = math.exp %get3A_333 : vector<16xf32>
    %add3A_335 = arith.addf %add3A_330, %exp3A_334 : vector<16xf32>
    %get3A_336 = arith.constant 608 : index
    %get3A_337 = tpu.vector_load %arg6[%get3A_336] {strides = array<i32>} : memref<3072xf32, #tpu.memory_space<vmem>>, vector<16xf32>,
    %get3A_338 = vector.shape_cast %get3A_337 : vector<16xf32> to vector<16xf32>
    %exp3A_339 = math.exp %get3A_338 : vector<16xf32>
    %add3A_340 = arith.addf %add3A_335, %exp3A_339 : vector<16xf32>
    %get3A_341 = arith.constant 624 : index
    %get3A_342 = tpu.vector_load %arg6[%get3A_341] {strides = array<i32>} : memref<3072xf32, #tpu.memory_space<vmem>>, vector<16xf32>,
    %get3A_343 = vector.shape_cast %get3A_342 : vector<16xf32> to vector<16xf32>
    %exp3A_344 = math.exp %get3A_343 : vector<16xf32>
    %add3A_345 = arith.addf %add3A_340, %exp3A_344 : vector<16xf32>
    %get3A_346 = arith.constant 640 : index
    %get3A_347 = tpu.vector_load %arg6[%get3A_346] {strides = array<i32>} : memref<3072xf32, #tpu.memory_space<vmem>>, vector<16xf32>,
    %get3A_348 = vector.shape_cast %get3A_347 : vector<16xf32> to vector<16xf32>
    %exp3A_349 = math.exp %get3A_348 : vector<16xf32>
    %add3A_350 = arith.addf %add3A_345, %exp3A_349 : vector<16xf32>
    %get3A_351 = arith.constant 656 : index
    %get3A_352 = tpu.vector_load %arg6[%get3A_351] {strides = array<i32>} : memref<3072xf32, #tpu.memory_space<vmem>>, vector<16xf32>,
    %get3A_353 = vector.shape_cast %get3A_352 : vector<16xf32> to vector<16xf32>
    %exp3A_354 = math.exp %get3A_353 : vector<16xf32>
    %add3A_355 = arith.addf %add3A_350, %exp3A_354 : vector<16xf32>
    %get3A_356 = arith.constant 672 : index
    %get3A_357 = tpu.vector_load %arg6[%get3A_356] {strides = array<i32>} : memref<3072xf32, #tpu.memory_space<vmem>>, vector<16xf32>,
    %get3A_358 = vector.shape_cast %get3A_357 : vector<16xf32> to vector<16xf32>
    %exp3A_359 = math.exp %get3A_358 : vector<16xf32>
    %add3A_360 = arith.addf %add3A_355, %exp3A_359 : vector<16xf32>
    %get3A_361 = arith.constant 688 : index
    %get3A_362 = tpu.vector_load %arg6[%get3A_361] {strides = array<i32>} : memref<3072xf32, #tpu.memory_space<vmem>>, vector<16xf32>,
    %get3A_363 = vector.shape_cast %get3A_362 : vector<16xf32> to vector<16xf32>
    %exp3A_364 = math.exp %get3A_363 : vector<16xf32>
    %add3A_365 = arith.addf %add3A_360, %exp3A_364 : vector<16xf32>
    %get3A_366 = arith.constant 704 : index
    %get3A_367 = tpu.vector_load %arg6[%get3A_366] {strides = array<i32>} : memref<3072xf32, #tpu.memory_space<vmem>>, vector<16xf32>,
    %get3A_368 = vector.shape_cast %get3A_367 : vector<16xf32> to vector<16xf32>
    %exp3A_369 = math.exp %get3A_368 : vector<16xf32>
    %add3A_370 = arith.addf %add3A_365, %exp3A_369 : vector<16xf32>
    %get3A_371 = arith.constant 720 : index
    %get3A_372 = tpu.vector_load %arg6[%get3A_371] {strides = array<i32>} : memref<3072xf32, #tpu.memory_space<vmem>>, vector<16xf32>,
    %get3A_373 = vector.shape_cast %get3A_372 : vector<16xf32> to vector<16xf32>
    %exp3A_374 = math.exp %get3A_373 : vector<16xf32>
    %add3A_375 = arith.addf %add3A_370, %exp3A_374 : vector<16xf32>
    %get3A_376 = arith.constant 736 : index
    %get3A_377 = tpu.vector_load %arg6[%get3A_376] {strides = array<i32>} : memref<3072xf32, #tpu.memory_space<vmem>>, vector<16xf32>,
    %get3A_378 = vector.shape_cast %get3A_377 : vector<16xf32> to vector<16xf32>
    %exp3A_379 = math.exp %get3A_378 : vector<16xf32>
    %add3A_380 = arith.addf %add3A_375, %exp3A_379 : vector<16xf32>
    %get3A_381 = arith.constant 752 : index
    %get3A_382 = tpu.vector_load %arg6[%get3A_381] {strides = array<i32>} : memref<3072xf32, #tpu.memory_space<vmem>>, vector<16xf32>,
    %get3A_383 = vector.shape_cast %get3A_382 : vector<16xf32> to vector<16xf32>
    %exp3A_384 = math.exp %get3A_383 : vector<16xf32>
    %add3A_385 = arith.addf %add3A_380, %exp3A_384 : vector<16xf32>
    %get3A_386 = arith.constant 768 : index
    %get3A_387 = tpu.vector_load %arg6[%get3A_386] {strides = array<i32>} : memref<3072xf32, #tpu.memory_space<vmem>>, vector<16xf32>,
    %get3A_388 = vector.shape_cast %get3A_387 : vector<16xf32> to vector<16xf32>
    %exp3A_389 = math.exp %get3A_388 : vector<16xf32>
    %add3A_390 = arith.addf %add3A_385, %exp3A_389 : vector<16xf32>
    %get3A_391 = arith.constant 784 : index
    %get3A_392 = tpu.vector_load %arg6[%get3A_391] {strides = array<i32>} : memref<3072xf32, #tpu.memory_space<vmem>>, vector<16xf32>,
    %get3A_393 = vector.shape_cast %get3A_392 : vector<16xf32> to vector<16xf32>
    %exp3A_394 = math.exp %get3A_393 : vector<16xf32>
    %add3A_395 = arith.addf %add3A_390, %exp3A_394 : vector<16xf32>
    %get3A_396 = arith.constant 800 : index
    %get3A_397 = tpu.vector_load %arg6[%get3A_396] {strides = array<i32>} : memref<3072xf32, #tpu.memory_space<vmem>>, vector<16xf32>,
    %get3A_398 = vector.shape_cast %get3A_397 : vector<16xf32> to vector<16xf32>
    %exp3A_399 = math.exp %get3A_398 : vector<16xf32>
    %add3A_400 = arith.addf %add3A_395, %exp3A_399 : vector<16xf32>
    %get3A_401 = arith.constant 816 : index
    %get3A_402 = tpu.vector_load %arg6[%get3A_401] {strides = array<i32>} : memref<3072xf32, #tpu.memory_space<vmem>>, vector<16xf32>,
    %get3A_403 = vector.shape_cast %get3A_402 : vector<16xf32> to vector<16xf32>
    %exp3A_404 = math.exp %get3A_403 : vector<16xf32>
    %add3A_405 = arith.addf %add3A_400, %exp3A_404 : vector<16xf32>
    %get3A_406 = arith.constant 832 : index
    %get3A_407 = tpu.vector_load %arg6[%get3A_406] {strides = array<i32>} : memref<3072xf32, #tpu.memory_space<vmem>>, vector<16xf32>,
    %get3A_408 = vector.shape_cast %get3A_407 : vector<16xf32> to vector<16xf32>
    %exp3A_409 = math.exp %get3A_408 : vector<16xf32>
    %add3A_410 = arith.addf %add3A_405, %exp3A_409 : vector<16xf32>
    %get3A_411 = arith.constant 848 : index
    %get3A_412 = tpu.vector_load %arg6[%get3A_411] {strides = array<i32>} : memref<3072xf32, #tpu.memory_space<vmem>>, vector<16xf32>,
    %get3A_413 = vector.shape_cast %get3A_412 : vector<16xf32> to vector<16xf32>
    %exp3A_414 = math.exp %get3A_413 : vector<16xf32>
    %add3A_415 = arith.addf %add3A_410, %exp3A_414 : vector<16xf32>
    %get3A_416 = arith.constant 864 : index
    %get3A_417 = tpu.vector_load %arg6[%get3A_416] {strides = array<i32>} : memref<3072xf32, #tpu.memory_space<vmem>>, vector<16xf32>,
    %get3A_418 = vector.shape_cast %get3A_417 : vector<16xf32> to vector<16xf32>
    %exp3A_419 = math.exp %get3A_418 : vector<16xf32>
    %add3A_420 = arith.addf %add3A_415, %exp3A_419 : vector<16xf32>
    %get3A_421 = arith.constant 880 : index
    %get3A_422 = tpu.vector_load %arg6[%get3A_421] {strides = array<i32>} : memref<3072xf32, #tpu.memory_space<vmem>>, vector<16xf32>,
    %get3A_423 = vector.shape_cast %get3A_422 : vector<16xf32> to vector<16xf32>
    %exp3A_424 = math.exp %get3A_423 : vector<16xf32>
    %add3A_425 = arith.addf %add3A_420, %exp3A_424 : vector<16xf32>
    %get3A_426 = arith.constant 896 : index
    %get3A_427 = tpu.vector_load %arg6[%get3A_426] {strides = array<i32>} : memref<3072xf32, #tpu.memory_space<vmem>>, vector<16xf32>,
    %get3A_428 = vector.shape_cast %get3A_427 : vector<16xf32> to vector<16xf32>
    %exp3A_429 = math.exp %get3A_428 : vector<16xf32>
    %add3A_430 = arith.addf %add3A_425, %exp3A_429 : vector<16xf32>
    %get3A_431 = arith.constant 912 : index
    %get3A_432 = tpu.vector_load %arg6[%get3A_431] {strides = array<i32>} : memref<3072xf32, #tpu.memory_space<vmem>>, vector<16xf32>,
    %get3A_433 = vector.shape_cast %get3A_432 : vector<16xf32> to vector<16xf32>
    %exp3A_434 = math.exp %get3A_433 : vector<16xf32>
    %add3A_435 = arith.addf %add3A_430, %exp3A_434 : vector<16xf32>
    %get3A_436 = arith.constant 928 : index
    %get3A_437 = tpu.vector_load %arg6[%get3A_436] {strides = array<i32>} : memref<3072xf32, #tpu.memory_space<vmem>>, vector<16xf32>,
    %get3A_438 = vector.shape_cast %get3A_437 : vector<16xf32> to vector<16xf32>
    %exp3A_439 = math.exp %get3A_438 : vector<16xf32>
    %add3A_440 = arith.addf %add3A_435, %exp3A_439 : vector<16xf32>
    %get3A_441 = arith.constant 944 : index
    %get3A_442 = tpu.vector_load %arg6[%get3A_441] {strides = array<i32>} : memref<3072xf32, #tpu.memory_space<vmem>>, vector<16xf32>,
    %get3A_443 = vector.shape_cast %get3A_442 : vector<16xf32> to vector<16xf32>
    %exp3A_444 = math.exp %get3A_443 : vector<16xf32>
    %add3A_445 = arith.addf %add3A_440, %exp3A_444 : vector<16xf32>
    %get3A_446 = arith.constant 960 : index
    %get3A_447 = tpu.vector_load %arg6[%get3A_446] {strides = array<i32>} : memref<3072xf32, #tpu.memory_space<vmem>>, vector<16xf32>,
    %get3A_448 = vector.shape_cast %get3A_447 : vector<16xf32> to vector<16xf32>
    %exp3A_449 = math.exp %get3A_448 : vector<16xf32>
    %add3A_450 = arith.addf %add3A_445, %exp3A_449 : vector<16xf32>
    %get3A_451 = arith.constant 976 : index
    %get3A_452 = tpu.vector_load %arg6[%get3A_451] {strides = array<i32>} : memref<3072xf32, #tpu.memory_space<vmem>>, vector<16xf32>,
    %get3A_453 = vector.shape_cast %get3A_452 : vector<16xf32> to vector<16xf32>
    %exp3A_454 = math.exp %get3A_453 : vector<16xf32>
    %add3A_455 = arith.addf %add3A_450, %exp3A_454 : vector<16xf32>
    %get3A_456 = arith.constant 992 : index
    %get3A_457 = tpu.vector_load %arg6[%get3A_456] {strides = array<i32>} : memref<3072xf32, #tpu.memory_space<vmem>>, vector<16xf32>,
    %get3A_458 = vector.shape_cast %get3A_457 : vector<16xf32> to vector<16xf32>
    %exp3A_459 = math.exp %get3A_458 : vector<16xf32>
    %add3A_460 = arith.addf %add3A_455, %exp3A_459 : vector<16xf32>
    %get3A_461 = arith.constant 1008 : index
    %get3A_462 = tpu.vector_load %arg6[%get3A_461] {strides = array<i32>} : memref<3072xf32, #tpu.memory_space<vmem>>, vector<16xf32>,
    %get3A_463 = vector.shape_cast %get3A_462 : vector<16xf32> to vector<16xf32>
    %exp3A_464 = math.exp %get3A_463 : vector<16xf32>
    %add3A_465 = arith.addf %add3A_460, %exp3A_464 : vector<16xf32>
    %get3A_466 = arith.constant 1024 : index
    %get3A_467 = tpu.vector_load %arg6[%get3A_466] {strides = array<i32>} : memref<3072xf32, #tpu.memory_space<vmem>>, vector<16xf32>,
    %get3A_468 = vector.shape_cast %get3A_467 : vector<16xf32> to vector<16xf32>
    %exp3A_469 = math.exp %get3A_468 : vector<16xf32>
    %add3A_470 = arith.addf %add3A_465, %exp3A_469 : vector<16xf32>
    %get3A_471 = arith.constant 1040 : index
    %get3A_472 = tpu.vector_load %arg6[%get3A_471] {strides = array<i32>} : memref<3072xf32, #tpu.memory_space<vmem>>, vector<16xf32>,
    %get3A_473 = vector.shape_cast %get3A_472 : vector<16xf32> to vector<16xf32>
    %exp3A_474 = math.exp %get3A_473 : vector<16xf32>
    %add3A_475 = arith.addf %add3A_470, %exp3A_474 : vector<16xf32>
    %get3A_476 = arith.constant 1056 : index
    %get3A_477 = tpu.vector_load %arg6[%get3A_476] {strides = array<i32>} : memref<3072xf32, #tpu.memory_space<vmem>>, vector<16xf32>,
    %get3A_478 = vector.shape_cast %get3A_477 : vector<16xf32> to vector<16xf32>
    %exp3A_479 = math.exp %get3A_478 : vector<16xf32>
    %add3A_480 = arith.addf %add3A_475, %exp3A_479 : vector<16xf32>
    %get3A_481 = arith.constant 1072 : index
    %get3A_482 = tpu.vector_load %arg6[%get3A_481] {strides = array<i32>} : memref<3072xf32, #tpu.memory_space<vmem>>, vector<16xf32>,
    %get3A_483 = vector.shape_cast %get3A_482 : vector<16xf32> to vector<16xf32>
    %exp3A_484 = math.exp %get3A_483 : vector<16xf32>
    %add3A_485 = arith.addf %add3A_480, %exp3A_484 : vector<16xf32>
    %get3A_486 = arith.constant 1088 : index
    %get3A_487 = tpu.vector_load %arg6[%get3A_486] {strides = array<i32>} : memref<3072xf32, #tpu.memory_space<vmem>>, vector<16xf32>,
    %get3A_488 = vector.shape_cast %get3A_487 : vector<16xf32> to vector<16xf32>
    %exp3A_489 = math.exp %get3A_488 : vector<16xf32>
    %add3A_490 = arith.addf %add3A_485, %exp3A_489 : vector<16xf32>
    %get3A_491 = arith.constant 1104 : index
    %get3A_492 = tpu.vector_load %arg6[%get3A_491] {strides = array<i32>} : memref<3072xf32, #tpu.memory_space<vmem>>, vector<16xf32>,
    %get3A_493 = vector.shape_cast %get3A_492 : vector<16xf32> to vector<16xf32>
    %exp3A_494 = math.exp %get3A_493 : vector<16xf32>
    %add3A_495 = arith.addf %add3A_490, %exp3A_494 : vector<16xf32>
    %get3A_496 = arith.constant 1120 : index
    %get3A_497 = tpu.vector_load %arg6[%get3A_496] {strides = array<i32>} : memref<3072xf32, #tpu.memory_space<vmem>>, vector<16xf32>,
    %get3A_498 = vector.shape_cast %get3A_497 : vector<16xf32> to vector<16xf32>
    %exp3A_499 = math.exp %get3A_498 : vector<16xf32>
    %add3A_500 = arith.addf %add3A_495, %exp3A_499 : vector<16xf32>
    %get3A_501 = arith.constant 1136 : index
    %get3A_502 = tpu.vector_load %arg6[%get3A_501] {strides = array<i32>} : memref<3072xf32, #tpu.memory_space<vmem>>, vector<16xf32>,
    %get3A_503 = vector.shape_cast %get3A_502 : vector<16xf32> to vector<16xf32>
    %exp3A_504 = math.exp %get3A_503 : vector<16xf32>
    %add3A_505 = arith.addf %add3A_500, %exp3A_504 : vector<16xf32>
    %get3A_506 = arith.constant 1152 : index
    %get3A_507 = tpu.vector_load %arg6[%get3A_506] {strides = array<i32>} : memref<3072xf32, #tpu.memory_space<vmem>>, vector<16xf32>,
    %get3A_508 = vector.shape_cast %get3A_507 : vector<16xf32> to vector<16xf32>
    %exp3A_509 = math.exp %get3A_508 : vector<16xf32>
    %add3A_510 = arith.addf %add3A_505, %exp3A_509 : vector<16xf32>
    %get3A_511 = arith.constant 1168 : index
    %get3A_512 = tpu.vector_load %arg6[%get3A_511] {strides = array<i32>} : memref<3072xf32, #tpu.memory_space<vmem>>, vector<16xf32>,
    %get3A_513 = vector.shape_cast %get3A_512 : vector<16xf32> to vector<16xf32>
    %exp3A_514 = math.exp %get3A_513 : vector<16xf32>
    %add3A_515 = arith.addf %add3A_510, %exp3A_514 : vector<16xf32>
    %get3A_516 = arith.constant 1184 : index
    %get3A_517 = tpu.vector_load %arg6[%get3A_516] {strides = array<i32>} : memref<3072xf32, #tpu.memory_space<vmem>>, vector<16xf32>,
    %get3A_518 = vector.shape_cast %get3A_517 : vector<16xf32> to vector<16xf32>
    %exp3A_519 = math.exp %get3A_518 : vector<16xf32>
    %add3A_520 = arith.addf %add3A_515, %exp3A_519 : vector<16xf32>
    %get3A_521 = arith.constant 1200 : index
    %get3A_522 = tpu.vector_load %arg6[%get3A_521] {strides = array<i32>} : memref<3072xf32, #tpu.memory_space<vmem>>, vector<16xf32>,
    %get3A_523 = vector.shape_cast %get3A_522 : vector<16xf32> to vector<16xf32>
    %exp3A_524 = math.exp %get3A_523 : vector<16xf32>
    %add3A_525 = arith.addf %add3A_520, %exp3A_524 : vector<16xf32>
    %get3A_526 = arith.constant 1216 : index
    %get3A_527 = tpu.vector_load %arg6[%get3A_526] {strides = array<i32>} : memref<3072xf32, #tpu.memory_space<vmem>>, vector<16xf32>,
    %get3A_528 = vector.shape_cast %get3A_527 : vector<16xf32> to vector<16xf32>
    %exp3A_529 = math.exp %get3A_528 : vector<16xf32>
    %add3A_530 = arith.addf %add3A_525, %exp3A_529 : vector<16xf32>
    %get3A_531 = arith.constant 1232 : index
    %get3A_532 = tpu.vector_load %arg6[%get3A_531] {strides = array<i32>} : memref<3072xf32, #tpu.memory_space<vmem>>, vector<16xf32>,
    %get3A_533 = vector.shape_cast %get3A_532 : vector<16xf32> to vector<16xf32>
    %exp3A_534 = math.exp %get3A_533 : vector<16xf32>
    %add3A_535 = arith.addf %add3A_530, %exp3A_534 : vector<16xf32>
    %get3A_536 = arith.constant 1248 : index
    %get3A_537 = tpu.vector_load %arg6[%get3A_536] {strides = array<i32>} : memref<3072xf32, #tpu.memory_space<vmem>>, vector<16xf32>,
    %get3A_538 = vector.shape_cast %get3A_537 : vector<16xf32> to vector<16xf32>
    %exp3A_539 = math.exp %get3A_538 : vector<16xf32>
    %add3A_540 = arith.addf %add3A_535, %exp3A_539 : vector<16xf32>
    %get3A_541 = arith.constant 1264 : index
    %get3A_542 = tpu.vector_load %arg6[%get3A_541] {strides = array<i32>} : memref<3072xf32, #tpu.memory_space<vmem>>, vector<16xf32>,
    %get3A_543 = vector.shape_cast %get3A_542 : vector<16xf32> to vector<16xf32>
    %exp3A_544 = math.exp %get3A_543 : vector<16xf32>
    %add3A_545 = arith.addf %add3A_540, %exp3A_544 : vector<16xf32>
    %get3A_546 = arith.constant 1280 : index
    %get3A_547 = tpu.vector_load %arg6[%get3A_546] {strides = array<i32>} : memref<3072xf32, #tpu.memory_space<vmem>>, vector<16xf32>,
    %get3A_548 = vector.shape_cast %get3A_547 : vector<16xf32> to vector<16xf32>
    %exp3A_549 = math.exp %get3A_548 : vector<16xf32>
    %add3A_550 = arith.addf %add3A_545, %exp3A_549 : vector<16xf32>
    %get3A_551 = arith.constant 1296 : index
    %get3A_552 = tpu.vector_load %arg6[%get3A_551] {strides = array<i32>} : memref<3072xf32, #tpu.memory_space<vmem>>, vector<16xf32>,
    %get3A_553 = vector.shape_cast %get3A_552 : vector<16xf32> to vector<16xf32>
    %exp3A_554 = math.exp %get3A_553 : vector<16xf32>
    %add3A_555 = arith.addf %add3A_550, %exp3A_554 : vector<16xf32>
    %get3A_556 = arith.constant 1312 : index
    %get3A_557 = tpu.vector_load %arg6[%get3A_556] {strides = array<i32>} : memref<3072xf32, #tpu.memory_space<vmem>>, vector<16xf32>,
    %get3A_558 = vector.shape_cast %get3A_557 : vector<16xf32> to vector<16xf32>
    %exp3A_559 = math.exp %get3A_558 : vector<16xf32>
    %add3A_560 = arith.addf %add3A_555, %exp3A_559 : vector<16xf32>
    %get3A_561 = arith.constant 1328 : index
    %get3A_562 = tpu.vector_load %arg6[%get3A_561] {strides = array<i32>} : memref<3072xf32, #tpu.memory_space<vmem>>, vector<16xf32>,
    %get3A_563 = vector.shape_cast %get3A_562 : vector<16xf32> to vector<16xf32>
    %exp3A_564 = math.exp %get3A_563 : vector<16xf32>
    %add3A_565 = arith.addf %add3A_560, %exp3A_564 : vector<16xf32>
    %get3A_566 = arith.constant 1344 : index
    %get3A_567 = tpu.vector_load %arg6[%get3A_566] {strides = array<i32>} : memref<3072xf32, #tpu.memory_space<vmem>>, vector<16xf32>,
    %get3A_568 = vector.shape_cast %get3A_567 : vector<16xf32> to vector<16xf32>
    %exp3A_569 = math.exp %get3A_568 : vector<16xf32>
    %add3A_570 = arith.addf %add3A_565, %exp3A_569 : vector<16xf32>
    %get3A_571 = arith.constant 1360 : index
    %get3A_572 = tpu.vector_load %arg6[%get3A_571] {strides = array<i32>} : memref<3072xf32, #tpu.memory_space<vmem>>, vector<16xf32>,
    %get3A_573 = vector.shape_cast %get3A_572 : vector<16xf32> to vector<16xf32>
    %exp3A_574 = math.exp %get3A_573 : vector<16xf32>
    %add3A_575 = arith.addf %add3A_570, %exp3A_574 : vector<16xf32>
    %get3A_576 = arith.constant 1376 : index
    %get3A_577 = tpu.vector_load %arg6[%get3A_576] {strides = array<i32>} : memref<3072xf32, #tpu.memory_space<vmem>>, vector<16xf32>,
    %get3A_578 = vector.shape_cast %get3A_577 : vector<16xf32> to vector<16xf32>
    %exp3A_579 = math.exp %get3A_578 : vector<16xf32>
    %add3A_580 = arith.addf %add3A_575, %exp3A_579 : vector<16xf32>
    %get3A_581 = arith.constant 1392 : index
    %get3A_582 = tpu.vector_load %arg6[%get3A_581] {strides = array<i32>} : memref<3072xf32, #tpu.memory_space<vmem>>, vector<16xf32>,
    %get3A_583 = vector.shape_cast %get3A_582 : vector<16xf32> to vector<16xf32>
    %exp3A_584 = math.exp %get3A_583 : vector<16xf32>
    %add3A_585 = arith.addf %add3A_580, %exp3A_584 : vector<16xf32>
    %get3A_586 = arith.constant 1408 : index
    %get3A_587 = tpu.vector_load %arg6[%get3A_586] {strides = array<i32>} : memref<3072xf32, #tpu.memory_space<vmem>>, vector<16xf32>,
    %get3A_588 = vector.shape_cast %get3A_587 : vector<16xf32> to vector<16xf32>
    %exp3A_589 = math.exp %get3A_588 : vector<16xf32>
    %add3A_590 = arith.addf %add3A_585, %exp3A_589 : vector<16xf32>
    %get3A_591 = arith.constant 1424 : index
    %get3A_592 = tpu.vector_load %arg6[%get3A_591] {strides = array<i32>} : memref<3072xf32, #tpu.memory_space<vmem>>, vector<16xf32>,
    %get3A_593 = vector.shape_cast %get3A_592 : vector<16xf32> to vector<16xf32>
    %exp3A_594 = math.exp %get3A_593 : vector<16xf32>
    %add3A_595 = arith.addf %add3A_590, %exp3A_594 : vector<16xf32>
    %get3A_596 = arith.constant 1440 : index
    %get3A_597 = tpu.vector_load %arg6[%get3A_596] {strides = array<i32>} : memref<3072xf32, #tpu.memory_space<vmem>>, vector<16xf32>,
    %get3A_598 = vector.shape_cast %get3A_597 : vector<16xf32> to vector<16xf32>
    %exp3A_599 = math.exp %get3A_598 : vector<16xf32>
    %add3A_600 = arith.addf %add3A_595, %exp3A_599 : vector<16xf32>
    %get3A_601 = arith.constant 1456 : index
    %get3A_602 = tpu.vector_load %arg6[%get3A_601] {strides = array<i32>} : memref<3072xf32, #tpu.memory_space<vmem>>, vector<16xf32>,
    %get3A_603 = vector.shape_cast %get3A_602 : vector<16xf32> to vector<16xf32>
    %exp3A_604 = math.exp %get3A_603 : vector<16xf32>
    %add3A_605 = arith.addf %add3A_600, %exp3A_604 : vector<16xf32>
    %get3A_606 = arith.constant 1472 : index
    %get3A_607 = tpu.vector_load %arg6[%get3A_606] {strides = array<i32>} : memref<3072xf32, #tpu.memory_space<vmem>>, vector<16xf32>,
    %get3A_608 = vector.shape_cast %get3A_607 : vector<16xf32> to vector<16xf32>
    %exp3A_609 = math.exp %get3A_608 : vector<16xf32>
    %add3A_610 = arith.addf %add3A_605, %exp3A_609 : vector<16xf32>
    %get3A_611 = arith.constant 1488 : index
    %get3A_612 = tpu.vector_load %arg6[%get3A_611] {strides = array<i32>} : memref<3072xf32, #tpu.memory_space<vmem>>, vector<16xf32>,
    %get3A_613 = vector.shape_cast %get3A_612 : vector<16xf32> to vector<16xf32>
    %exp3A_614 = math.exp %get3A_613 : vector<16xf32>
    %add3A_615 = arith.addf %add3A_610, %exp3A_614 : vector<16xf32>
    %get3A_616 = arith.constant 1504 : index
    %get3A_617 = tpu.vector_load %arg6[%get3A_616] {strides = array<i32>} : memref<3072xf32, #tpu.memory_space<vmem>>, vector<16xf32>,
    %get3A_618 = vector.shape_cast %get3A_617 : vector<16xf32> to vector<16xf32>
    %exp3A_619 = math.exp %get3A_618 : vector<16xf32>
    %add3A_620 = arith.addf %add3A_615, %exp3A_619 : vector<16xf32>
    %get3A_621 = arith.constant 1520 : index
    %get3A_622 = tpu.vector_load %arg6[%get3A_621] {strides = array<i32>} : memref<3072xf32, #tpu.memory_space<vmem>>, vector<16xf32>,
    %get3A_623 = vector.shape_cast %get3A_622 : vector<16xf32> to vector<16xf32>
    %exp3A_624 = math.exp %get3A_623 : vector<16xf32>
    %add3A_625 = arith.addf %add3A_620, %exp3A_624 : vector<16xf32>
    %get3A_626 = arith.constant 1536 : index
    %get3A_627 = tpu.vector_load %arg6[%get3A_626] {strides = array<i32>} : memref<3072xf32, #tpu.memory_space<vmem>>, vector<16xf32>,
    %get3A_628 = vector.shape_cast %get3A_627 : vector<16xf32> to vector<16xf32>
    %exp3A_629 = math.exp %get3A_628 : vector<16xf32>
    %add3A_630 = arith.addf %add3A_625, %exp3A_629 : vector<16xf32>
    %get3A_631 = arith.constant 1552 : index
    %get3A_632 = tpu.vector_load %arg6[%get3A_631] {strides = array<i32>} : memref<3072xf32, #tpu.memory_space<vmem>>, vector<16xf32>,
    %get3A_633 = vector.shape_cast %get3A_632 : vector<16xf32> to vector<16xf32>
    %exp3A_634 = math.exp %get3A_633 : vector<16xf32>
    %add3A_635 = arith.addf %add3A_630, %exp3A_634 : vector<16xf32>
    %get3A_636 = arith.constant 1568 : index
    %get3A_637 = tpu.vector_load %arg6[%get3A_636] {strides = array<i32>} : memref<3072xf32, #tpu.memory_space<vmem>>, vector<16xf32>,
    %get3A_638 = vector.shape_cast %get3A_637 : vector<16xf32> to vector<16xf32>
    %exp3A_639 = math.exp %get3A_638 : vector<16xf32>
    %add3A_640 = arith.addf %add3A_635, %exp3A_639 : vector<16xf32>
    %get3A_641 = arith.constant 1584 : index
    %get3A_642 = tpu.vector_load %arg6[%get3A_641] {strides = array<i32>} : memref<3072xf32, #tpu.memory_space<vmem>>, vector<16xf32>,
    %get3A_643 = vector.shape_cast %get3A_642 : vector<16xf32> to vector<16xf32>
    %exp3A_644 = math.exp %get3A_643 : vector<16xf32>
    %add3A_645 = arith.addf %add3A_640, %exp3A_644 : vector<16xf32>
    %get3A_646 = arith.constant 1600 : index
    %get3A_647 = tpu.vector_load %arg6[%get3A_646] {strides = array<i32>} : memref<3072xf32, #tpu.memory_space<vmem>>, vector<16xf32>,
    %get3A_648 = vector.shape_cast %get3A_647 : vector<16xf32> to vector<16xf32>
    %exp3A_649 = math.exp %get3A_648 : vector<16xf32>
    %add3A_650 = arith.addf %add3A_645, %exp3A_649 : vector<16xf32>
    %get3A_651 = arith.constant 1616 : index
    %get3A_652 = tpu.vector_load %arg6[%get3A_651] {strides = array<i32>} : memref<3072xf32, #tpu.memory_space<vmem>>, vector<16xf32>,
    %get3A_653 = vector.shape_cast %get3A_652 : vector<16xf32> to vector<16xf32>
    %exp3A_654 = math.exp %get3A_653 : vector<16xf32>
    %add3A_655 = arith.addf %add3A_650, %exp3A_654 : vector<16xf32>
    %get3A_656 = arith.constant 1632 : index
    %get3A_657 = tpu.vector_load %arg6[%get3A_656] {strides = array<i32>} : memref<3072xf32, #tpu.memory_space<vmem>>, vector<16xf32>,
    %get3A_658 = vector.shape_cast %get3A_657 : vector<16xf32> to vector<16xf32>
    %exp3A_659 = math.exp %get3A_658 : vector<16xf32>
    %add3A_660 = arith.addf %add3A_655, %exp3A_659 : vector<16xf32>
    %get3A_661 = arith.constant 1648 : index
    %get3A_662 = tpu.vector_load %arg6[%get3A_661] {strides = array<i32>} : memref<3072xf32, #tpu.memory_space<vmem>>, vector<16xf32>,
    %get3A_663 = vector.shape_cast %get3A_662 : vector<16xf32> to vector<16xf32>
    %exp3A_664 = math.exp %get3A_663 : vector<16xf32>
    %add3A_665 = arith.addf %add3A_660, %exp3A_664 : vector<16xf32>
    %get3A_666 = arith.constant 1664 : index
    %get3A_667 = tpu.vector_load %arg6[%get3A_666] {strides = array<i32>} : memref<3072xf32, #tpu.memory_space<vmem>>, vector<16xf32>,
    %get3A_668 = vector.shape_cast %get3A_667 : vector<16xf32> to vector<16xf32>
    %exp3A_669 = math.exp %get3A_668 : vector<16xf32>
    %add3A_670 = arith.addf %add3A_665, %exp3A_669 : vector<16xf32>
    %get3A_671 = arith.constant 1680 : index
    %get3A_672 = tpu.vector_load %arg6[%get3A_671] {strides = array<i32>} : memref<3072xf32, #tpu.memory_space<vmem>>, vector<16xf32>,
    %get3A_673 = vector.shape_cast %get3A_672 : vector<16xf32> to vector<16xf32>
    %exp3A_674 = math.exp %get3A_673 : vector<16xf32>
    %add3A_675 = arith.addf %add3A_670, %exp3A_674 : vector<16xf32>
    %get3A_676 = arith.constant 1696 : index
    %get3A_677 = tpu.vector_load %arg6[%get3A_676] {strides = array<i32>} : memref<3072xf32, #tpu.memory_space<vmem>>, vector<16xf32>,
    %get3A_678 = vector.shape_cast %get3A_677 : vector<16xf32> to vector<16xf32>
    %exp3A_679 = math.exp %get3A_678 : vector<16xf32>
    %add3A_680 = arith.addf %add3A_675, %exp3A_679 : vector<16xf32>
    %get3A_681 = arith.constant 1712 : index
    %get3A_682 = tpu.vector_load %arg6[%get3A_681] {strides = array<i32>} : memref<3072xf32, #tpu.memory_space<vmem>>, vector<16xf32>,
    %get3A_683 = vector.shape_cast %get3A_682 : vector<16xf32> to vector<16xf32>
    %exp3A_684 = math.exp %get3A_683 : vector<16xf32>
    %add3A_685 = arith.addf %add3A_680, %exp3A_684 : vector<16xf32>
    %get3A_686 = arith.constant 1728 : index
    %get3A_687 = tpu.vector_load %arg6[%get3A_686] {strides = array<i32>} : memref<3072xf32, #tpu.memory_space<vmem>>, vector<16xf32>,
    %get3A_688 = vector.shape_cast %get3A_687 : vector<16xf32> to vector<16xf32>
    %exp3A_689 = math.exp %get3A_688 : vector<16xf32>
    %add3A_690 = arith.addf %add3A_685, %exp3A_689 : vector<16xf32>
    %get3A_691 = arith.constant 1744 : index
    %get3A_692 = tpu.vector_load %arg6[%get3A_691] {strides = array<i32>} : memref<3072xf32, #tpu.memory_space<vmem>>, vector<16xf32>,
    %get3A_693 = vector.shape_cast %get3A_692 : vector<16xf32> to vector<16xf32>
    %exp3A_694 = math.exp %get3A_693 : vector<16xf32>
    %add3A_695 = arith.addf %add3A_690, %exp3A_694 : vector<16xf32>
    %get3A_696 = arith.constant 1760 : index
    %get3A_697 = tpu.vector_load %arg6[%get3A_696] {strides = array<i32>} : memref<3072xf32, #tpu.memory_space<vmem>>, vector<16xf32>,
    %get3A_698 = vector.shape_cast %get3A_697 : vector<16xf32> to vector<16xf32>
    %exp3A_699 = math.exp %get3A_698 : vector<16xf32>
    %add3A_700 = arith.addf %add3A_695, %exp3A_699 : vector<16xf32>
    %get3A_701 = arith.constant 1776 : index
    %get3A_702 = tpu.vector_load %arg6[%get3A_701] {strides = array<i32>} : memref<3072xf32, #tpu.memory_space<vmem>>, vector<16xf32>,
    %get3A_703 = vector.shape_cast %get3A_702 : vector<16xf32> to vector<16xf32>
    %exp3A_704 = math.exp %get3A_703 : vector<16xf32>
    %add3A_705 = arith.addf %add3A_700, %exp3A_704 : vector<16xf32>
    %get3A_706 = arith.constant 1792 : index
    %get3A_707 = tpu.vector_load %arg6[%get3A_706] {strides = array<i32>} : memref<3072xf32, #tpu.memory_space<vmem>>, vector<16xf32>,
    %get3A_708 = vector.shape_cast %get3A_707 : vector<16xf32> to vector<16xf32>
    %exp3A_709 = math.exp %get3A_708 : vector<16xf32>
    %add3A_710 = arith.addf %add3A_705, %exp3A_709 : vector<16xf32>
    %get3A_711 = arith.constant 1808 : index
    %get3A_712 = tpu.vector_load %arg6[%get3A_711] {strides = array<i32>} : memref<3072xf32, #tpu.memory_space<vmem>>, vector<16xf32>,
    %get3A_713 = vector.shape_cast %get3A_712 : vector<16xf32> to vector<16xf32>
    %exp3A_714 = math.exp %get3A_713 : vector<16xf32>
    %add3A_715 = arith.addf %add3A_710, %exp3A_714 : vector<16xf32>
    %get3A_716 = arith.constant 1824 : index
    %get3A_717 = tpu.vector_load %arg6[%get3A_716] {strides = array<i32>} : memref<3072xf32, #tpu.memory_space<vmem>>, vector<16xf32>,
    %get3A_718 = vector.shape_cast %get3A_717 : vector<16xf32> to vector<16xf32>
    %exp3A_719 = math.exp %get3A_718 : vector<16xf32>
    %add3A_720 = arith.addf %add3A_715, %exp3A_719 : vector<16xf32>
    %get3A_721 = arith.constant 1840 : index
    %get3A_722 = tpu.vector_load %arg6[%get3A_721] {strides = array<i32>} : memref<3072xf32, #tpu.memory_space<vmem>>, vector<16xf32>,
    %get3A_723 = vector.shape_cast %get3A_722 : vector<16xf32> to vector<16xf32>
    %exp3A_724 = math.exp %get3A_723 : vector<16xf32>
    %add3A_725 = arith.addf %add3A_720, %exp3A_724 : vector<16xf32>
    %get3A_726 = arith.constant 1856 : index
    %get3A_727 = tpu.vector_load %arg6[%get3A_726] {strides = array<i32>} : memref<3072xf32, #tpu.memory_space<vmem>>, vector<16xf32>,
    %get3A_728 = vector.shape_cast %get3A_727 : vector<16xf32> to vector<16xf32>
    %exp3A_729 = math.exp %get3A_728 : vector<16xf32>
    %add3A_730 = arith.addf %add3A_725, %exp3A_729 : vector<16xf32>
    %get3A_731 = arith.constant 1872 : index
    %get3A_732 = tpu.vector_load %arg6[%get3A_731] {strides = array<i32>} : memref<3072xf32, #tpu.memory_space<vmem>>, vector<16xf32>,
    %get3A_733 = vector.shape_cast %get3A_732 : vector<16xf32> to vector<16xf32>
    %exp3A_734 = math.exp %get3A_733 : vector<16xf32>
    %add3A_735 = arith.addf %add3A_730, %exp3A_734 : vector<16xf32>
    %get3A_736 = arith.constant 1888 : index
    %get3A_737 = tpu.vector_load %arg6[%get3A_736] {strides = array<i32>} : memref<3072xf32, #tpu.memory_space<vmem>>, vector<16xf32>,
    %get3A_738 = vector.shape_cast %get3A_737 : vector<16xf32> to vector<16xf32>
    %exp3A_739 = math.exp %get3A_738 : vector<16xf32>
    %add3A_740 = arith.addf %add3A_735, %exp3A_739 : vector<16xf32>
    %get3A_741 = arith.constant 1904 : index
    %get3A_742 = tpu.vector_load %arg6[%get3A_741] {strides = array<i32>} : memref<3072xf32, #tpu.memory_space<vmem>>, vector<16xf32>,
    %get3A_743 = vector.shape_cast %get3A_742 : vector<16xf32> to vector<16xf32>
    %exp3A_744 = math.exp %get3A_743 : vector<16xf32>
    %add3A_745 = arith.addf %add3A_740, %exp3A_744 : vector<16xf32>
    %get3A_746 = arith.constant 1920 : index
    %get3A_747 = tpu.vector_load %arg6[%get3A_746] {strides = array<i32>} : memref<3072xf32, #tpu.memory_space<vmem>>, vector<16xf32>,
    %get3A_748 = vector.shape_cast %get3A_747 : vector<16xf32> to vector<16xf32>
    %exp3A_749 = math.exp %get3A_748 : vector<16xf32>
    %add3A_750 = arith.addf %add3A_745, %exp3A_749 : vector<16xf32>
    %get3A_751 = arith.constant 1936 : index
    %get3A_752 = tpu.vector_load %arg6[%get3A_751] {strides = array<i32>} : memref<3072xf32, #tpu.memory_space<vmem>>, vector<16xf32>,
    %get3A_753 = vector.shape_cast %get3A_752 : vector<16xf32> to vector<16xf32>
    %exp3A_754 = math.exp %get3A_753 : vector<16xf32>
    %add3A_755 = arith.addf %add3A_750, %exp3A_754 : vector<16xf32>
    %get3A_756 = arith.constant 1952 : index
    %get3A_757 = tpu.vector_load %arg6[%get3A_756] {strides = array<i32>} : memref<3072xf32, #tpu.memory_space<vmem>>, vector<16xf32>,
    %get3A_758 = vector.shape_cast %get3A_757 : vector<16xf32> to vector<16xf32>
    %exp3A_759 = math.exp %get3A_758 : vector<16xf32>
    %add3A_760 = arith.addf %add3A_755, %exp3A_759 : vector<16xf32>
    %get3A_761 = arith.constant 1968 : index
    %get3A_762 = tpu.vector_load %arg6[%get3A_761] {strides = array<i32>} : memref<3072xf32, #tpu.memory_space<vmem>>, vector<16xf32>,
    %get3A_763 = vector.shape_cast %get3A_762 : vector<16xf32> to vector<16xf32>
    %exp3A_764 = math.exp %get3A_763 : vector<16xf32>
    %add3A_765 = arith.addf %add3A_760, %exp3A_764 : vector<16xf32>
    %get3A_766 = arith.constant 1984 : index
    %get3A_767 = tpu.vector_load %arg6[%get3A_766] {strides = array<i32>} : memref<3072xf32, #tpu.memory_space<vmem>>, vector<16xf32>,
    %get3A_768 = vector.shape_cast %get3A_767 : vector<16xf32> to vector<16xf32>
    %exp3A_769 = math.exp %get3A_768 : vector<16xf32>
    %add3A_770 = arith.addf %add3A_765, %exp3A_769 : vector<16xf32>
    %get3A_771 = arith.constant 2000 : index
    %get3A_772 = tpu.vector_load %arg6[%get3A_771] {strides = array<i32>} : memref<3072xf32, #tpu.memory_space<vmem>>, vector<16xf32>,
    %get3A_773 = vector.shape_cast %get3A_772 : vector<16xf32> to vector<16xf32>
    %exp3A_774 = math.exp %get3A_773 : vector<16xf32>
    %add3A_775 = arith.addf %add3A_770, %exp3A_774 : vector<16xf32>
    %get3A_776 = arith.constant 2016 : index
    %get3A_777 = tpu.vector_load %arg6[%get3A_776] {strides = array<i32>} : memref<3072xf32, #tpu.memory_space<vmem>>, vector<16xf32>,
    %get3A_778 = vector.shape_cast %get3A_777 : vector<16xf32> to vector<16xf32>
    %exp3A_779 = math.exp %get3A_778 : vector<16xf32>
    %add3A_780 = arith.addf %add3A_775, %exp3A_779 : vector<16xf32>
    %get3A_781 = arith.constant 2032 : index
    %get3A_782 = tpu.vector_load %arg6[%get3A_781] {strides = array<i32>} : memref<3072xf32, #tpu.memory_space<vmem>>, vector<16xf32>,
    %get3A_783 = vector.shape_cast %get3A_782 : vector<16xf32> to vector<16xf32>
    %exp3A_784 = math.exp %get3A_783 : vector<16xf32>
    %add3A_785 = arith.addf %add3A_780, %exp3A_784 : vector<16xf32>
    %get3A_786 = arith.constant 2048 : index
    %get3A_787 = tpu.vector_load %arg6[%get3A_786] {strides = array<i32>} : memref<3072xf32, #tpu.memory_space<vmem>>, vector<16xf32>,
    %get3A_788 = vector.shape_cast %get3A_787 : vector<16xf32> to vector<16xf32>
    %exp3A_789 = math.exp %get3A_788 : vector<16xf32>
    %add3A_790 = arith.addf %add3A_785, %exp3A_789 : vector<16xf32>
    %get3A_791 = arith.constant 2064 : index
    %get3A_792 = tpu.vector_load %arg6[%get3A_791] {strides = array<i32>} : memref<3072xf32, #tpu.memory_space<vmem>>, vector<16xf32>,
    %get3A_793 = vector.shape_cast %get3A_792 : vector<16xf32> to vector<16xf32>
    %exp3A_794 = math.exp %get3A_793 : vector<16xf32>
    %add3A_795 = arith.addf %add3A_790, %exp3A_794 : vector<16xf32>
    %get3A_796 = arith.constant 2080 : index
    %get3A_797 = tpu.vector_load %arg6[%get3A_796] {strides = array<i32>} : memref<3072xf32, #tpu.memory_space<vmem>>, vector<16xf32>,
    %get3A_798 = vector.shape_cast %get3A_797 : vector<16xf32> to vector<16xf32>
    %exp3A_799 = math.exp %get3A_798 : vector<16xf32>
    %add3A_800 = arith.addf %add3A_795, %exp3A_799 : vector<16xf32>
    %get3A_801 = arith.constant 2096 : index
    %get3A_802 = tpu.vector_load %arg6[%get3A_801] {strides = array<i32>} : memref<3072xf32, #tpu.memory_space<vmem>>, vector<16xf32>,
    %get3A_803 = vector.shape_cast %get3A_802 : vector<16xf32> to vector<16xf32>
    %exp3A_804 = math.exp %get3A_803 : vector<16xf32>
    %add3A_805 = arith.addf %add3A_800, %exp3A_804 : vector<16xf32>
    %get3A_806 = arith.constant 2112 : index
    %get3A_807 = tpu.vector_load %arg6[%get3A_806] {strides = array<i32>} : memref<3072xf32, #tpu.memory_space<vmem>>, vector<16xf32>,
    %get3A_808 = vector.shape_cast %get3A_807 : vector<16xf32> to vector<16xf32>
    %exp3A_809 = math.exp %get3A_808 : vector<16xf32>
    %add3A_810 = arith.addf %add3A_805, %exp3A_809 : vector<16xf32>
    %get3A_811 = arith.constant 2128 : index
    %get3A_812 = tpu.vector_load %arg6[%get3A_811] {strides = array<i32>} : memref<3072xf32, #tpu.memory_space<vmem>>, vector<16xf32>,
    %get3A_813 = vector.shape_cast %get3A_812 : vector<16xf32> to vector<16xf32>
    %exp3A_814 = math.exp %get3A_813 : vector<16xf32>
    %add3A_815 = arith.addf %add3A_810, %exp3A_814 : vector<16xf32>
    %get3A_816 = arith.constant 2144 : index
    %get3A_817 = tpu.vector_load %arg6[%get3A_816] {strides = array<i32>} : memref<3072xf32, #tpu.memory_space<vmem>>, vector<16xf32>,
    %get3A_818 = vector.shape_cast %get3A_817 : vector<16xf32> to vector<16xf32>
    %exp3A_819 = math.exp %get3A_818 : vector<16xf32>
    %add3A_820 = arith.addf %add3A_815, %exp3A_819 : vector<16xf32>
    %get3A_821 = arith.constant 2160 : index
    %get3A_822 = tpu.vector_load %arg6[%get3A_821] {strides = array<i32>} : memref<3072xf32, #tpu.memory_space<vmem>>, vector<16xf32>,
    %get3A_823 = vector.shape_cast %get3A_822 : vector<16xf32> to vector<16xf32>
    %exp3A_824 = math.exp %get3A_823 : vector<16xf32>
    %add3A_825 = arith.addf %add3A_820, %exp3A_824 : vector<16xf32>
    %get3A_826 = arith.constant 2176 : index
    %get3A_827 = tpu.vector_load %arg6[%get3A_826] {strides = array<i32>} : memref<3072xf32, #tpu.memory_space<vmem>>, vector<16xf32>,
    %get3A_828 = vector.shape_cast %get3A_827 : vector<16xf32> to vector<16xf32>
    %exp3A_829 = math.exp %get3A_828 : vector<16xf32>
    %add3A_830 = arith.addf %add3A_825, %exp3A_829 : vector<16xf32>
    %get3A_831 = arith.constant 2192 : index
    %get3A_832 = tpu.vector_load %arg6[%get3A_831] {strides = array<i32>} : memref<3072xf32, #tpu.memory_space<vmem>>, vector<16xf32>,
    %get3A_833 = vector.shape_cast %get3A_832 : vector<16xf32> to vector<16xf32>
    %exp3A_834 = math.exp %get3A_833 : vector<16xf32>
    %add3A_835 = arith.addf %add3A_830, %exp3A_834 : vector<16xf32>
    %get3A_836 = arith.constant 2208 : index
    %get3A_837 = tpu.vector_load %arg6[%get3A_836] {strides = array<i32>} : memref<3072xf32, #tpu.memory_space<vmem>>, vector<16xf32>,
    %get3A_838 = vector.shape_cast %get3A_837 : vector<16xf32> to vector<16xf32>
    %exp3A_839 = math.exp %get3A_838 : vector<16xf32>
    %add3A_840 = arith.addf %add3A_835, %exp3A_839 : vector<16xf32>
    %get3A_841 = arith.constant 2224 : index
    %get3A_842 = tpu.vector_load %arg6[%get3A_841] {strides = array<i32>} : memref<3072xf32, #tpu.memory_space<vmem>>, vector<16xf32>,
    %get3A_843 = vector.shape_cast %get3A_842 : vector<16xf32> to vector<16xf32>
    %exp3A_844 = math.exp %get3A_843 : vector<16xf32>
    %add3A_845 = arith.addf %add3A_840, %exp3A_844 : vector<16xf32>
    %get3A_846 = arith.constant 2240 : index
    %get3A_847 = tpu.vector_load %arg6[%get3A_846] {strides = array<i32>} : memref<3072xf32, #tpu.memory_space<vmem>>, vector<16xf32>,
    %get3A_848 = vector.shape_cast %get3A_847 : vector<16xf32> to vector<16xf32>
    %exp3A_849 = math.exp %get3A_848 : vector<16xf32>
    %add3A_850 = arith.addf %add3A_845, %exp3A_849 : vector<16xf32>
    %get3A_851 = arith.constant 2256 : index
    %get3A_852 = tpu.vector_load %arg6[%get3A_851] {strides = array<i32>} : memref<3072xf32, #tpu.memory_space<vmem>>, vector<16xf32>,
    %get3A_853 = vector.shape_cast %get3A_852 : vector<16xf32> to vector<16xf32>
    %exp3A_854 = math.exp %get3A_853 : vector<16xf32>
    %add3A_855 = arith.addf %add3A_850, %exp3A_854 : vector<16xf32>
    %get3A_856 = arith.constant 2272 : index
    %get3A_857 = tpu.vector_load %arg6[%get3A_856] {strides = array<i32>} : memref<3072xf32, #tpu.memory_space<vmem>>, vector<16xf32>,
    %get3A_858 = vector.shape_cast %get3A_857 : vector<16xf32> to vector<16xf32>
    %exp3A_859 = math.exp %get3A_858 : vector<16xf32>
    %add3A_860 = arith.addf %add3A_855, %exp3A_859 : vector<16xf32>
    %get3A_861 = arith.constant 2288 : index
    %get3A_862 = tpu.vector_load %arg6[%get3A_861] {strides = array<i32>} : memref<3072xf32, #tpu.memory_space<vmem>>, vector<16xf32>,
    %get3A_863 = vector.shape_cast %get3A_862 : vector<16xf32> to vector<16xf32>
    %exp3A_864 = math.exp %get3A_863 : vector<16xf32>
    %add3A_865 = arith.addf %add3A_860, %exp3A_864 : vector<16xf32>
    %get3A_866 = arith.constant 2304 : index
    %get3A_867 = tpu.vector_load %arg6[%get3A_866] {strides = array<i32>} : memref<3072xf32, #tpu.memory_space<vmem>>, vector<16xf32>,
    %get3A_868 = vector.shape_cast %get3A_867 : vector<16xf32> to vector<16xf32>
    %exp3A_869 = math.exp %get3A_868 : vector<16xf32>
    %add3A_870 = arith.addf %add3A_865, %exp3A_869 : vector<16xf32>
    %get3A_871 = arith.constant 2320 : index
    %get3A_872 = tpu.vector_load %arg6[%get3A_871] {strides = array<i32>} : memref<3072xf32, #tpu.memory_space<vmem>>, vector<16xf32>,
    %get3A_873 = vector.shape_cast %get3A_872 : vector<16xf32> to vector<16xf32>
    %exp3A_874 = math.exp %get3A_873 : vector<16xf32>
    %add3A_875 = arith.addf %add3A_870, %exp3A_874 : vector<16xf32>
    %get3A_876 = arith.constant 2336 : index
    %get3A_877 = tpu.vector_load %arg6[%get3A_876] {strides = array<i32>} : memref<3072xf32, #tpu.memory_space<vmem>>, vector<16xf32>,
    %get3A_878 = vector.shape_cast %get3A_877 : vector<16xf32> to vector<16xf32>
    %exp3A_879 = math.exp %get3A_878 : vector<16xf32>
    %add3A_880 = arith.addf %add3A_875, %exp3A_879 : vector<16xf32>
    %get3A_881 = arith.constant 2352 : index
    %get3A_882 = tpu.vector_load %arg6[%get3A_881] {strides = array<i32>} : memref<3072xf32, #tpu.memory_space<vmem>>, vector<16xf32>,
    %get3A_883 = vector.shape_cast %get3A_882 : vector<16xf32> to vector<16xf32>
    %exp3A_884 = math.exp %get3A_883 : vector<16xf32>
    %add3A_885 = arith.addf %add3A_880, %exp3A_884 : vector<16xf32>
    %get3A_886 = arith.constant 2368 : index
    %get3A_887 = tpu.vector_load %arg6[%get3A_886] {strides = array<i32>} : memref<3072xf32, #tpu.memory_space<vmem>>, vector<16xf32>,
    %get3A_888 = vector.shape_cast %get3A_887 : vector<16xf32> to vector<16xf32>
    %exp3A_889 = math.exp %get3A_888 : vector<16xf32>
    %add3A_890 = arith.addf %add3A_885, %exp3A_889 : vector<16xf32>
    %get3A_891 = arith.constant 2384 : index
    %get3A_892 = tpu.vector_load %arg6[%get3A_891] {strides = array<i32>} : memref<3072xf32, #tpu.memory_space<vmem>>, vector<16xf32>,
    %get3A_893 = vector.shape_cast %get3A_892 : vector<16xf32> to vector<16xf32>
    %exp3A_894 = math.exp %get3A_893 : vector<16xf32>
    %add3A_895 = arith.addf %add3A_890, %exp3A_894 : vector<16xf32>
    %get3A_896 = arith.constant 2400 : index
    %get3A_897 = tpu.vector_load %arg6[%get3A_896] {strides = array<i32>} : memref<3072xf32, #tpu.memory_space<vmem>>, vector<16xf32>,
    %get3A_898 = vector.shape_cast %get3A_897 : vector<16xf32> to vector<16xf32>
    %exp3A_899 = math.exp %get3A_898 : vector<16xf32>
    %add3A_900 = arith.addf %add3A_895, %exp3A_899 : vector<16xf32>
    %get3A_901 = arith.constant 2416 : index
    %get3A_902 = tpu.vector_load %arg6[%get3A_901] {strides = array<i32>} : memref<3072xf32, #tpu.memory_space<vmem>>, vector<16xf32>,
    %get3A_903 = vector.shape_cast %get3A_902 : vector<16xf32> to vector<16xf32>
    %exp3A_904 = math.exp %get3A_903 : vector<16xf32>
    %add3A_905 = arith.addf %add3A_900, %exp3A_904 : vector<16xf32>
    %get3A_906 = arith.constant 2432 : index
    %get3A_907 = tpu.vector_load %arg6[%get3A_906] {strides = array<i32>} : memref<3072xf32, #tpu.memory_space<vmem>>, vector<16xf32>,
    %get3A_908 = vector.shape_cast %get3A_907 : vector<16xf32> to vector<16xf32>
    %exp3A_909 = math.exp %get3A_908 : vector<16xf32>
    %add3A_910 = arith.addf %add3A_905, %exp3A_909 : vector<16xf32>
    %get3A_911 = arith.constant 2448 : index
    %get3A_912 = tpu.vector_load %arg6[%get3A_911] {strides = array<i32>} : memref<3072xf32, #tpu.memory_space<vmem>>, vector<16xf32>,
    %get3A_913 = vector.shape_cast %get3A_912 : vector<16xf32> to vector<16xf32>
    %exp3A_914 = math.exp %get3A_913 : vector<16xf32>
    %add3A_915 = arith.addf %add3A_910, %exp3A_914 : vector<16xf32>
    %get3A_916 = arith.constant 2464 : index
    %get3A_917 = tpu.vector_load %arg6[%get3A_916] {strides = array<i32>} : memref<3072xf32, #tpu.memory_space<vmem>>, vector<16xf32>,
    %get3A_918 = vector.shape_cast %get3A_917 : vector<16xf32> to vector<16xf32>
    %exp3A_919 = math.exp %get3A_918 : vector<16xf32>
    %add3A_920 = arith.addf %add3A_915, %exp3A_919 : vector<16xf32>
    %get3A_921 = arith.constant 2480 : index
    %get3A_922 = tpu.vector_load %arg6[%get3A_921] {strides = array<i32>} : memref<3072xf32, #tpu.memory_space<vmem>>, vector<16xf32>,
    %get3A_923 = vector.shape_cast %get3A_922 : vector<16xf32> to vector<16xf32>
    %exp3A_924 = math.exp %get3A_923 : vector<16xf32>
    %add3A_925 = arith.addf %add3A_920, %exp3A_924 : vector<16xf32>
    %get3A_926 = arith.constant 2496 : index
    %get3A_927 = tpu.vector_load %arg6[%get3A_926] {strides = array<i32>} : memref<3072xf32, #tpu.memory_space<vmem>>, vector<16xf32>,
    %get3A_928 = vector.shape_cast %get3A_927 : vector<16xf32> to vector<16xf32>
    %exp3A_929 = math.exp %get3A_928 : vector<16xf32>
    %add3A_930 = arith.addf %add3A_925, %exp3A_929 : vector<16xf32>
    %get3A_931 = arith.constant 2512 : index
    %get3A_932 = tpu.vector_load %arg6[%get3A_931] {strides = array<i32>} : memref<3072xf32, #tpu.memory_space<vmem>>, vector<16xf32>,
    %get3A_933 = vector.shape_cast %get3A_932 : vector<16xf32> to vector<16xf32>
    %exp3A_934 = math.exp %get3A_933 : vector<16xf32>
    %add3A_935 = arith.addf %add3A_930, %exp3A_934 : vector<16xf32>
    %get3A_936 = arith.constant 2528 : index
    %get3A_937 = tpu.vector_load %arg6[%get3A_936] {strides = array<i32>} : memref<3072xf32, #tpu.memory_space<vmem>>, vector<16xf32>,
    %get3A_938 = vector.shape_cast %get3A_937 : vector<16xf32> to vector<16xf32>
    %exp3A_939 = math.exp %get3A_938 : vector<16xf32>
    %add3A_940 = arith.addf %add3A_935, %exp3A_939 : vector<16xf32>
    %get3A_941 = arith.constant 2544 : index
    %get3A_942 = tpu.vector_load %arg6[%get3A_941] {strides = array<i32>} : memref<3072xf32, #tpu.memory_space<vmem>>, vector<16xf32>,
    %get3A_943 = vector.shape_cast %get3A_942 : vector<16xf32> to vector<16xf32>
    %exp3A_944 = math.exp %get3A_943 : vector<16xf32>
    %add3A_945 = arith.addf %add3A_940, %exp3A_944 : vector<16xf32>
    %get3A_946 = arith.constant 2560 : index
    %get3A_947 = tpu.vector_load %arg6[%get3A_946] {strides = array<i32>} : memref<3072xf32, #tpu.memory_space<vmem>>, vector<16xf32>,
    %get3A_948 = vector.shape_cast %get3A_947 : vector<16xf32> to vector<16xf32>
    %exp3A_949 = math.exp %get3A_948 : vector<16xf32>
    %add3A_950 = arith.addf %add3A_945, %exp3A_949 : vector<16xf32>
    %get3A_951 = arith.constant 2576 : index
    %get3A_952 = tpu.vector_load %arg6[%get3A_951] {strides = array<i32>} : memref<3072xf32, #tpu.memory_space<vmem>>, vector<16xf32>,
    %get3A_953 = vector.shape_cast %get3A_952 : vector<16xf32> to vector<16xf32>
    %exp3A_954 = math.exp %get3A_953 : vector<16xf32>
    %add3A_955 = arith.addf %add3A_950, %exp3A_954 : vector<16xf32>
    %get3A_956 = arith.constant 2592 : index
    %get3A_957 = tpu.vector_load %arg6[%get3A_956] {strides = array<i32>} : memref<3072xf32, #tpu.memory_space<vmem>>, vector<16xf32>,
    %get3A_958 = vector.shape_cast %get3A_957 : vector<16xf32> to vector<16xf32>
    %exp3A_959 = math.exp %get3A_958 : vector<16xf32>
    %add3A_960 = arith.addf %add3A_955, %exp3A_959 : vector<16xf32>
    %get3A_961 = arith.constant 2608 : index
    %get3A_962 = tpu.vector_load %arg6[%get3A_961] {strides = array<i32>} : memref<3072xf32, #tpu.memory_space<vmem>>, vector<16xf32>,
    %get3A_963 = vector.shape_cast %get3A_962 : vector<16xf32> to vector<16xf32>
    %exp3A_964 = math.exp %get3A_963 : vector<16xf32>
    %add3A_965 = arith.addf %add3A_960, %exp3A_964 : vector<16xf32>
    %get3A_966 = arith.constant 2624 : index
    %get3A_967 = tpu.vector_load %arg6[%get3A_966] {strides = array<i32>} : memref<3072xf32, #tpu.memory_space<vmem>>, vector<16xf32>,
    %get3A_968 = vector.shape_cast %get3A_967 : vector<16xf32> to vector<16xf32>
    %exp3A_969 = math.exp %get3A_968 : vector<16xf32>
    %add3A_970 = arith.addf %add3A_965, %exp3A_969 : vector<16xf32>
    %get3A_971 = arith.constant 2640 : index
    %get3A_972 = tpu.vector_load %arg6[%get3A_971] {strides = array<i32>} : memref<3072xf32, #tpu.memory_space<vmem>>, vector<16xf32>,
    %get3A_973 = vector.shape_cast %get3A_972 : vector<16xf32> to vector<16xf32>
    %exp3A_974 = math.exp %get3A_973 : vector<16xf32>
    %add3A_975 = arith.addf %add3A_970, %exp3A_974 : vector<16xf32>
    %get3A_976 = arith.constant 2656 : index
    %get3A_977 = tpu.vector_load %arg6[%get3A_976] {strides = array<i32>} : memref<3072xf32, #tpu.memory_space<vmem>>, vector<16xf32>,
    %get3A_978 = vector.shape_cast %get3A_977 : vector<16xf32> to vector<16xf32>
    %exp3A_979 = math.exp %get3A_978 : vector<16xf32>
    %add3A_980 = arith.addf %add3A_975, %exp3A_979 : vector<16xf32>
    %get3A_981 = arith.constant 2672 : index
    %get3A_982 = tpu.vector_load %arg6[%get3A_981] {strides = array<i32>} : memref<3072xf32, #tpu.memory_space<vmem>>, vector<16xf32>,
    %get3A_983 = vector.shape_cast %get3A_982 : vector<16xf32> to vector<16xf32>
    %exp3A_984 = math.exp %get3A_983 : vector<16xf32>
    %add3A_985 = arith.addf %add3A_980, %exp3A_984 : vector<16xf32>
    %get3A_986 = arith.constant 2688 : index
    %get3A_987 = tpu.vector_load %arg6[%get3A_986] {strides = array<i32>} : memref<3072xf32, #tpu.memory_space<vmem>>, vector<16xf32>,
    %get3A_988 = vector.shape_cast %get3A_987 : vector<16xf32> to vector<16xf32>
    %exp3A_989 = math.exp %get3A_988 : vector<16xf32>
    %add3A_990 = arith.addf %add3A_985, %exp3A_989 : vector<16xf32>
    %get3A_991 = arith.constant 2704 : index
    %get3A_992 = tpu.vector_load %arg6[%get3A_991] {strides = array<i32>} : memref<3072xf32, #tpu.memory_space<vmem>>, vector<16xf32>,
    %get3A_993 = vector.shape_cast %get3A_992 : vector<16xf32> to vector<16xf32>
    %exp3A_994 = math.exp %get3A_993 : vector<16xf32>
    %add3A_995 = arith.addf %add3A_990, %exp3A_994 : vector<16xf32>
    %get3A_996 = arith.constant 2720 : index
    %get3A_997 = tpu.vector_load %arg6[%get3A_996] {strides = array<i32>} : memref<3072xf32, #tpu.memory_space<vmem>>, vector<16xf32>,
    %get3A_998 = vector.shape_cast %get3A_997 : vector<16xf32> to vector<16xf32>
    %exp3A_999 = math.exp %get3A_998 : vector<16xf32>
    %add3A_1000 = arith.addf %add3A_995, %exp3A_999 : vector<16xf32>
    %get3A_1001 = arith.constant 2736 : index
    %get3A_1002 = tpu.vector_load %arg6[%get3A_1001] {strides = array<i32>} : memref<3072xf32, #tpu.memory_space<vmem>>, vector<16xf32>,
    %get3A_1003 = vector.shape_cast %get3A_1002 : vector<16xf32> to vector<16xf32>
    %exp3A_1004 = math.exp %get3A_1003 : vector<16xf32>
    %add3A_1005 = arith.addf %add3A_1000, %exp3A_1004 : vector<16xf32>
    %get3A_1006 = arith.constant 2752 : index
    %get3A_1007 = tpu.vector_load %arg6[%get3A_1006] {strides = array<i32>} : memref<3072xf32, #tpu.memory_space<vmem>>, vector<16xf32>,
    %get3A_1008 = vector.shape_cast %get3A_1007 : vector<16xf32> to vector<16xf32>
    %exp3A_1009 = math.exp %get3A_1008 : vector<16xf32>
    %add3A_1010 = arith.addf %add3A_1005, %exp3A_1009 : vector<16xf32>
    %get3A_1011 = arith.constant 2768 : index
    %get3A_1012 = tpu.vector_load %arg6[%get3A_1011] {strides = array<i32>} : memref<3072xf32, #tpu.memory_space<vmem>>, vector<16xf32>,
    %get3A_1013 = vector.shape_cast %get3A_1012 : vector<16xf32> to vector<16xf32>
    %exp3A_1014 = math.exp %get3A_1013 : vector<16xf32>
    %add3A_1015 = arith.addf %add3A_1010, %exp3A_1014 : vector<16xf32>
    %get3A_1016 = arith.constant 2784 : index
    %get3A_1017 = tpu.vector_load %arg6[%get3A_1016] {strides = array<i32>} : memref<3072xf32, #tpu.memory_space<vmem>>, vector<16xf32>,
    %get3A_1018 = vector.shape_cast %get3A_1017 : vector<16xf32> to vector<16xf32>
    %exp3A_1019 = math.exp %get3A_1018 : vector<16xf32>
    %add3A_1020 = arith.addf %add3A_1015, %exp3A_1019 : vector<16xf32>
    %get3A_1021 = arith.constant 2800 : index
    %get3A_1022 = tpu.vector_load %arg6[%get3A_1021] {strides = array<i32>} : memref<3072xf32, #tpu.memory_space<vmem>>, vector<16xf32>,
    %get3A_1023 = vector.shape_cast %get3A_1022 : vector<16xf32> to vector<16xf32>
    %exp3A_1024 = math.exp %get3A_1023 : vector<16xf32>
    %add3A_1025 = arith.addf %add3A_1020, %exp3A_1024 : vector<16xf32>
    %get3A_1026 = arith.constant 2816 : index
    %get3A_1027 = tpu.vector_load %arg6[%get3A_1026] {strides = array<i32>} : memref<3072xf32, #tpu.memory_space<vmem>>, vector<16xf32>,
    %get3A_1028 = vector.shape_cast %get3A_1027 : vector<16xf32> to vector<16xf32>
    %exp3A_1029 = math.exp %get3A_1028 : vector<16xf32>
    %add3A_1030 = arith.addf %add3A_1025, %exp3A_1029 : vector<16xf32>
    %get3A_1031 = arith.constant 2832 : index
    %get3A_1032 = tpu.vector_load %arg6[%get3A_1031] {strides = array<i32>} : memref<3072xf32, #tpu.memory_space<vmem>>, vector<16xf32>,
    %get3A_1033 = vector.shape_cast %get3A_1032 : vector<16xf32> to vector<16xf32>
    %exp3A_1034 = math.exp %get3A_1033 : vector<16xf32>
    %add3A_1035 = arith.addf %add3A_1030, %exp3A_1034 : vector<16xf32>
    %get3A_1036 = arith.constant 2848 : index
    %get3A_1037 = tpu.vector_load %arg6[%get3A_1036] {strides = array<i32>} : memref<3072xf32, #tpu.memory_space<vmem>>, vector<16xf32>,
    %get3A_1038 = vector.shape_cast %get3A_1037 : vector<16xf32> to vector<16xf32>
    %exp3A_1039 = math.exp %get3A_1038 : vector<16xf32>
    %add3A_1040 = arith.addf %add3A_1035, %exp3A_1039 : vector<16xf32>
    %get3A_1041 = arith.constant 2864 : index
    %get3A_1042 = tpu.vector_load %arg6[%get3A_1041] {strides = array<i32>} : memref<3072xf32, #tpu.memory_space<vmem>>, vector<16xf32>,
    %get3A_1043 = vector.shape_cast %get3A_1042 : vector<16xf32> to vector<16xf32>
    %exp3A_1044 = math.exp %get3A_1043 : vector<16xf32>
    %add3A_1045 = arith.addf %add3A_1040, %exp3A_1044 : vector<16xf32>
    %get3A_1046 = arith.constant 2880 : index
    %get3A_1047 = tpu.vector_load %arg6[%get3A_1046] {strides = array<i32>} : memref<3072xf32, #tpu.memory_space<vmem>>, vector<16xf32>,
    %get3A_1048 = vector.shape_cast %get3A_1047 : vector<16xf32> to vector<16xf32>
    %exp3A_1049 = math.exp %get3A_1048 : vector<16xf32>
    %add3A_1050 = arith.addf %add3A_1045, %exp3A_1049 : vector<16xf32>
    %get3A_1051 = arith.constant 2896 : index
    %get3A_1052 = tpu.vector_load %arg6[%get3A_1051] {strides = array<i32>} : memref<3072xf32, #tpu.memory_space<vmem>>, vector<16xf32>,
    %get3A_1053 = vector.shape_cast %get3A_1052 : vector<16xf32> to vector<16xf32>
    %exp3A_1054 = math.exp %get3A_1053 : vector<16xf32>
    %add3A_1055 = arith.addf %add3A_1050, %exp3A_1054 : vector<16xf32>
    %get3A_1056 = arith.constant 2912 : index
    %get3A_1057 = tpu.vector_load %arg6[%get3A_1056] {strides = array<i32>} : memref<3072xf32, #tpu.memory_space<vmem>>, vector<16xf32>,
    %get3A_1058 = vector.shape_cast %get3A_1057 : vector<16xf32> to vector<16xf32>
    %exp3A_1059 = math.exp %get3A_1058 : vector<16xf32>
    %add3A_1060 = arith.addf %add3A_1055, %exp3A_1059 : vector<16xf32>
    %get3A_1061 = arith.constant 2928 : index
    %get3A_1062 = tpu.vector_load %arg6[%get3A_1061] {strides = array<i32>} : memref<3072xf32, #tpu.memory_space<vmem>>, vector<16xf32>,
    %get3A_1063 = vector.shape_cast %get3A_1062 : vector<16xf32> to vector<16xf32>
    %exp3A_1064 = math.exp %get3A_1063 : vector<16xf32>
    %add3A_1065 = arith.addf %add3A_1060, %exp3A_1064 : vector<16xf32>
    %get3A_1066 = arith.constant 2944 : index
    %get3A_1067 = tpu.vector_load %arg6[%get3A_1066] {strides = array<i32>} : memref<3072xf32, #tpu.memory_space<vmem>>, vector<16xf32>,
    %get3A_1068 = vector.shape_cast %get3A_1067 : vector<16xf32> to vector<16xf32>
    %exp3A_1069 = math.exp %get3A_1068 : vector<16xf32>
    %add3A_1070 = arith.addf %add3A_1065, %exp3A_1069 : vector<16xf32>
    %get3A_1071 = arith.constant 2960 : index
    %get3A_1072 = tpu.vector_load %arg6[%get3A_1071] {strides = array<i32>} : memref<3072xf32, #tpu.memory_space<vmem>>, vector<16xf32>,
    %get3A_1073 = vector.shape_cast %get3A_1072 : vector<16xf32> to vector<16xf32>
    %exp3A_1074 = math.exp %get3A_1073 : vector<16xf32>
    %add3A_1075 = arith.addf %add3A_1070, %exp3A_1074 : vector<16xf32>
    %get3A_1076 = arith.constant 2976 : index
    %get3A_1077 = tpu.vector_load %arg6[%get3A_1076] {strides = array<i32>} : memref<3072xf32, #tpu.memory_space<vmem>>, vector<16xf32>,
    %get3A_1078 = vector.shape_cast %get3A_1077 : vector<16xf32> to vector<16xf32>
    %exp3A_1079 = math.exp %get3A_1078 : vector<16xf32>
    %add3A_1080 = arith.addf %add3A_1075, %exp3A_1079 : vector<16xf32>
    %get3A_1081 = arith.constant 2992 : index
    %get3A_1082 = tpu.vector_load %arg6[%get3A_1081] {strides = array<i32>} : memref<3072xf32, #tpu.memory_space<vmem>>, vector<16xf32>,
    %get3A_1083 = vector.shape_cast %get3A_1082 : vector<16xf32> to vector<16xf32>
    %exp3A_1084 = math.exp %get3A_1083 : vector<16xf32>
    %add3A_1085 = arith.addf %add3A_1080, %exp3A_1084 : vector<16xf32>
    %get3A_1086 = arith.constant 3008 : index
    %get3A_1087 = tpu.vector_load %arg6[%get3A_1086] {strides = array<i32>} : memref<3072xf32, #tpu.memory_space<vmem>>, vector<16xf32>,
    %get3A_1088 = vector.shape_cast %get3A_1087 : vector<16xf32> to vector<16xf32>
    %exp3A_1089 = math.exp %get3A_1088 : vector<16xf32>
    %add3A_1090 = arith.addf %add3A_1085, %exp3A_1089 : vector<16xf32>
    %get3A_1091 = arith.constant 3024 : index
    %get3A_1092 = tpu.vector_load %arg6[%get3A_1091] {strides = array<i32>} : memref<3072xf32, #tpu.memory_space<vmem>>, vector<16xf32>,
    %get3A_1093 = vector.shape_cast %get3A_1092 : vector<16xf32> to vector<16xf32>
    %exp3A_1094 = math.exp %get3A_1093 : vector<16xf32>
    %add3A_1095 = arith.addf %add3A_1090, %exp3A_1094 : vector<16xf32>
    %get3A_1096 = arith.constant 3040 : index
    %get3A_1097 = tpu.vector_load %arg6[%get3A_1096] {strides = array<i32>} : memref<3072xf32, #tpu.memory_space<vmem>>, vector<16xf32>,
    %get3A_1098 = vector.shape_cast %get3A_1097 : vector<16xf32> to vector<16xf32>
    %exp3A_1099 = math.exp %get3A_1098 : vector<16xf32>
    %add3A_1100 = arith.addf %add3A_1095, %exp3A_1099 : vector<16xf32>
    %get3A_1101 = arith.constant 3056 : index
    %get3A_1102 = tpu.vector_load %arg6[%get3A_1101] {strides = array<i32>} : memref<3072xf32, #tpu.memory_space<vmem>>, vector<16xf32>,
    %get3A_1103 = vector.shape_cast %get3A_1102 : vector<16xf32> to vector<16xf32>
    %exp3A_1104 = math.exp %get3A_1103 : vector<16xf32>
    %add3A_1105 = arith.addf %add3A_1100, %exp3A_1104 : vector<16xf32>
    %swap3A = arith.constant 0 : index
    %swap3A_1106 = tpu.vector_load %arg7[%swap3A] {strides = array<i32>} : memref<32xf32, #tpu.memory_space<vmem>>, vector<16xf32>,
    %swap3A_1107 = vector.shape_cast %swap3A_1106 : vector<16xf32> to vector<16xf32>
    %swap3A_1108 = vector.shape_cast %add3A_1105 : vector<16xf32> to vector<16xf32>
    tpu.vector_store %arg7[%swap3A], %swap3A_1108 {strides = array<i32>} : memref<32xf32, #tpu.memory_space<vmem>>, vector<16xf32>,
    %swap3A_1109 = arith.constant 16 : index
    %swap3A_1110 = tpu.vector_load %arg7[%swap3A_1109] {strides = array<i32>} : memref<32xf32, #tpu.memory_space<vmem>>, vector<16xf32>,
    %swap3A_1111 = vector.shape_cast %swap3A_1110 : vector<16xf32> to vector<16xf32>
    %swap3A_1112 = vector.shape_cast %add3A_305 : vector<16xf32> to vector<16xf32>
    tpu.vector_store %arg7[%swap3A_1109], %swap3A_1112 {strides = array<i32>} : memref<32xf32, #tpu.memory_space<vmem>>, vector<16xf32>,
    "tpu.region"() ({
      %run_scoped3A = tpu.sem_alloc : memref<!tpu.dma_semaphore, #tpu.memory_space<semaphore_mem>>
      %dma_start3A_1113 = arith.constant 0 : i32
      %dma_start3A_1114 = tpu.memref_slice %arg4[%add3A, %dma_start3A_1113] : memref<32x32xf32, #tpu.memory_space<hbm>> -> memref<1x32xf32, #tpu.memory_space<hbm>>
      %dma_start3A_1115 = tpu.memref_squeeze %dma_start3A_1114 : memref<1x32xf32, #tpu.memory_space<hbm>> -> memref<32xf32, #tpu.memory_space<hbm>>
      %dma_start3A_1116 = arith.constant 0 : i32
      %dma_start3A_1117 = tpu.memref_slice %arg4[%add3A, %dma_start3A_1116] : memref<32x32xf32, #tpu.memory_space<hbm>> -> memref<1x32xf32, #tpu.memory_space<hbm>>
      %dma_start3A_1118 = tpu.memref_squeeze %dma_start3A_1117 : memref<1x32xf32, #tpu.memory_space<hbm>> -> memref<32xf32, #tpu.memory_space<hbm>>
      tpu.enqueue_dma source(%arg7 : memref<32xf32, #tpu.memory_space<vmem>>) target(%dma_start3A_1118 : memref<32xf32, #tpu.memory_space<hbm>>) target_semaphore(%run_scoped3A : memref<!tpu.dma_semaphore, #tpu.memory_space<semaphore_mem>>)
      %dma_wait3A_1119 = arith.constant 0 : i32
      %dma_wait3A_1120 = tpu.memref_slice %arg4[%add3A, %dma_wait3A_1119] : memref<32x32xf32, #tpu.memory_space<hbm>> -> memref<1x32xf32, #tpu.memory_space<hbm>>
      %dma_wait3A_1121 = tpu.memref_squeeze %dma_wait3A_1120 : memref<1x32xf32, #tpu.memory_space<hbm>> -> memref<32xf32, #tpu.memory_space<hbm>>
      %dma_wait3A_1122 = arith.constant 0 : i32
      %dma_wait3A_1123 = tpu.memref_slice %arg4[%add3A, %dma_wait3A_1122] : memref<32x32xf32, #tpu.memory_space<hbm>> -> memref<1x32xf32, #tpu.memory_space<hbm>>
      %dma_wait3A_1124 = tpu.memref_squeeze %dma_wait3A_1123 : memref<1x32xf32, #tpu.memory_space<hbm>> -> memref<32xf32, #tpu.memory_space<hbm>>
      tpu.wait_dma2 semaphore(%run_scoped3A : memref<!tpu.dma_semaphore, #tpu.memory_space<semaphore_mem>>) src(%arg7 : memref<32xf32, #tpu.memory_space<vmem>>) dst(%dma_wait3A_1124 : memref<32xf32, #tpu.memory_space<hbm>>)
      tpu.yield
    }) : () -> ()
    return
  }
}

module attributes {stable_mosaic.version = 14 : i64} {
  func.func @_prep_body(%arg0: memref<1000x64xf32, #tpu.memory_space<vmem>>, %arg1: memref<1000x64xf32, #tpu.memory_space<vmem>>, %arg2: memref<1x16384xi32, #tpu.memory_space<vmem>>, %arg3: memref<6x16384xi32, #tpu.memory_space<vmem>>, %arg4: memref<1024x1024xf32, #tpu.memory_space<vmem>>, %arg5: memref<6x16384xi32, #tpu.memory_space<vmem>>) attributes {dimension_semantics = [], scalar_prefetch = 0 : i64, scratch_operands = 0 : i64, tpu.core_type = #tpu.core_type<tc>} {
    %get3A = arith.constant 0 : index
    %get3A_0 = arith.constant 0 : index
    %get3A_1 = vector.load %arg0[%get3A, %get3A_0] : memref<1000x64xf32, #tpu.memory_space<vmem>>, vector<1000x64xf32>
    %get3A_2 = arith.constant 0 : index
    %get3A_3 = arith.constant 0 : index
    %get3A_4 = vector.load %arg1[%get3A_2, %get3A_3] : memref<1000x64xf32, #tpu.memory_space<vmem>>, vector<1000x64xf32>
    %dot_general3A = arith.constant dense<0.000000e+00> : vector<1000x1000xf32>
    %dot_general3A_5 = tpu.matmul %get3A_1, %get3A_4, %dot_general3A {dimension_numbers = #tpu.dot_dimension_numbers<[1], [1], [0], [0], [0, 0, 1, 0], [], []>, precision = #tpu.contract_precision<fp32>, transpose_lhs_hint = false} : vector<1000x64xf32>, vector<1000x64xf32>, vector<1000x1000xf32> -> vector<1000x1000xf32>
    %swap3A = arith.constant 0 : index
    %swap3A_6 = arith.constant 0 : index
    %swap3A_7 = vector.load %arg4[%swap3A, %swap3A_6] : memref<1024x1024xf32, #tpu.memory_space<vmem>>, vector<1000x1000xf32>
    tpu.vector_store %arg4[%swap3A, %swap3A_6], %dot_general3A_5 {strides = array<i32>} : memref<1024x1024xf32, #tpu.memory_space<vmem>>, vector<1000x1000xf32>,
    %get3A_8 = arith.constant 0 : index
    %get3A_9 = arith.constant 0 : index
    %get3A_10 = vector.load %arg2[%get3A_8, %get3A_9] : memref<1x16384xi32, #tpu.memory_space<vmem>>, vector<1x16384xi32>
    %mul3A = arith.constant 1024 : i32
    %mul3A_11 = vector.broadcast %mul3A : i32 to vector<1x16384xi32>
    %mul3A_12 = arith.muli %get3A_10, %mul3A_11 : vector<1x16384xi32>
    %get3A_13 = arith.constant 0 : index
    %get3A_14 = arith.constant 0 : index
    %get3A_15 = vector.load %arg3[%get3A_13, %get3A_14] : memref<6x16384xi32, #tpu.memory_space<vmem>>, vector<6x16384xi32>
    %add3A = vector.broadcast %mul3A_12 : vector<1x16384xi32> to vector<6x16384xi32>
    %add3A_16 = arith.addi %add3A, %get3A_15 : vector<6x16384xi32>
    %swap3A_17 = arith.constant 0 : index
    %swap3A_18 = arith.constant 0 : index
    %swap3A_19 = vector.load %arg5[%swap3A_17, %swap3A_18] : memref<6x16384xi32, #tpu.memory_space<vmem>>, vector<6x16384xi32>
    tpu.vector_store %arg5[%swap3A_17, %swap3A_18], %add3A_16 {strides = array<i32>} : memref<6x16384xi32, #tpu.memory_space<vmem>>, vector<6x16384xi32>,
    return
  }
}

module attributes {stable_mosaic.version = 14 : i64} {
  func.func @_fin_body(%arg0: memref<32x32xf32, #tpu.memory_space<vmem>>, %arg1: memref<1x1xf32, #tpu.memory_space<vmem>>) attributes {dimension_semantics = [], scalar_prefetch = 0 : i64, scratch_operands = 0 : i64, tpu.core_type = #tpu.core_type<tc>} {
    %get3A = arith.constant 0 : index
    %get3A_0 = arith.constant 0 : index
    %get3A_1 = vector.load %arg0[%get3A, %get3A_0] : memref<32x32xf32, #tpu.memory_space<vmem>>, vector<32x16xf32>
    %reduce_sum3A = vector.shape_cast %get3A_1 : vector<32x16xf32> to vector<1x32x16xf32>
    %reduce_sum3A_2 = arith.constant dense<0.000000e+00> : vector<1xf32>
    %reduce_sum3A_3 = vector.multi_reduction <add>, %reduce_sum3A, %reduce_sum3A_2 [1, 2] : vector<1x32x16xf32> to vector<1xf32>
    %reduce_sum3A_4 = vector.shape_cast %reduce_sum3A_3 : vector<1xf32> to vector<1x1x1xf32>
    %reduce_sum3A_5 = vector.extract %reduce_sum3A_4[0, 0, 0] : f32 from vector<1x1x1xf32>
    %get3A_6 = arith.constant 0 : index
    %get3A_7 = arith.constant 16 : index
    %get3A_8 = vector.load %arg0[%get3A_6, %get3A_7] : memref<32x32xf32, #tpu.memory_space<vmem>>, vector<32x16xf32>
    %reduce_sum3A_9 = vector.shape_cast %get3A_8 : vector<32x16xf32> to vector<1x32x16xf32>
    %reduce_sum3A_10 = arith.constant dense<0.000000e+00> : vector<1xf32>
    %reduce_sum3A_11 = vector.multi_reduction <add>, %reduce_sum3A_9, %reduce_sum3A_10 [1, 2] : vector<1x32x16xf32> to vector<1xf32>
    %reduce_sum3A_12 = vector.shape_cast %reduce_sum3A_11 : vector<1xf32> to vector<1x1x1xf32>
    %reduce_sum3A_13 = vector.extract %reduce_sum3A_12[0, 0, 0] : f32 from vector<1x1x1xf32>
    %log3A = math.log %reduce_sum3A_5 : f32
    %mul3A = arith.constant 1.638400e+04 : f32
    %mul3A_14 = arith.mulf %mul3A, %log3A : f32
    %sub3A = arith.subf %mul3A_14, %reduce_sum3A_13 : f32
    %reshape3A = vector.broadcast %sub3A : f32 to vector<1x1xf32>
    %swap3A = arith.constant 0 : index
    %swap3A_15 = arith.constant 0 : index
    %swap3A_16 = vector.load %arg1[%swap3A, %swap3A_15] : memref<1x1xf32, #tpu.memory_space<vmem>>, vector<1x1xf32>
    tpu.vector_store %arg1[%swap3A, %swap3A_15], %reshape3A {strides = array<i32>} : memref<1x1xf32, #tpu.memory_space<vmem>>, vector<1x1xf32>,
    return
  }
}

</mosaic_0001>

<sc_bundles>
// kernel: kernel.5.cloned.1.call-start
scs
__scs_entry_jumppad:
0x0: {  	(pc) =	sbr.rel $0x88, $3  }
0x1: {  	(tag) =	ssettag $0x0;
	lr =	simm.s32 $0x1  }
0x2: {  	[smem:$0x3F9D] =	sst lr;
	_ =	strace $0xD0000000  }
0x3: {  	_ = 	snop  }
0x4: {  	_ = 	snop  }
0x5: {  	_ = 	snop  }
0x6: {  	_ = 	snop  }
0x7: {  	_ = 	snop  }
__scs_overlays_trampoline_lowered:
0x8: {  	[smem:$0x3FAC] =	sst s0  }
0x9: {  	[smem:$0x3FAD] =	sst s1  }
0xa: {  	[smem:$0x3FAE] =	sst s2  }
0xb: {  	[smem:$0x3FAF] =	sst s3  }
0xc: {  	[smem:$0x3FB0] =	sst s4  }
0xd: {  	[smem:$0x3FB1] =	sst s5  }
0xe: {  	[smem:$0x3FB2] =	sst s6  }
0xf: {  	[smem:$0x3FB3] =	sst s7  }
0x10: {  	[smem:$0x3FB4] =	sst s8  }
0x11: {  	[smem:$0x3FB5] =	sst s9;
	s0 =	simm.s32 @!p0 $0x0  }
0x12: {  	s1 =	sld [smem:$0x3F9B];
	s0 =	simm.s32 @p0 $0x1  }
0x13: {  	[smem:$0x3FB6] =	sst s0;
	s0 =	simm.s32 @!p1 $0x0  }
0x14: {  	s2 =	sld [smem:$0x3F9A];
	s0 =	simm.s32 @p1 $0x1  }
0x15: {  	[smem:$0x3FB7] =	sst s0;
	s0 =	simm.s32 @!p2 $0x0  }
0x16: {  	s3 =	sld [smem:$0x3FDB];
	s0 =	simm.s32 @p2 $0x1  }
0x17: {  	s4 =	simm.s32 $0x1BF5;
	[smem:$0x3FB9] =	sst s0  }
0x18: {  	s0 =	sld [smem:$0x3F9C];
	_ =	swait.ge [sflag:s4], $0x0  }
0x19: {  	s7 =	sld [smem:$0x3F9D]  }
0x1a: {  	s8 =	sadd.s32 $0xFFFFE003, lr  }
0x1b: {  	s9 =	sadd.s32 $0xFFFFFEF7, lr;
	s5 =	simm.s32 $0xFFFFFFFF;
	p2 =	slt.u32 s8, $0xFFFFF086  }
0x1c: {  	p1 =	slt.u32 s9, $0xF7A;
	s5 =	simm.s32 @!p2 $0x0  }
0x1d: {  	s5 =	simm.s32 @p1 $0x1;
	p0 =	seq.s32 s7, s2  }
0x1e: {  	s7 =	smul.u32 @!p0 $0xF7A, s2;
	p2 =	seq.s32 @!p0 s5, $0x0  }
0x1f: {  	s9 =	smul.u32 $0xF7A, s1;
	s8 =	simm.s32 @!p0 $0x1BF5;
	p2 =	por !p2, p0  }
0x20: {  	[sflag:s8] =	ssyncset.s32 @!p0 $0xFFFFF086;
	s6 =	sadd.s32 @!p0 s3, s7;
	s7 =	simm.s32 @!p0 $0x108  }
0x21: {  	s3 =	sadd.s32 s3, s9;
	s6 =	sadd.s32 @!p0 $0x88, s6;
	s7 =	simm.s32 @p2 $0x1082  }
0x22: {  	[simem:s7], [sflag:s8] =	dma.local @!p0 [hbm:s6], $0xF7A  }
0x23: {  	s9 =	sor.u32 $0xD0000000, s2;
	s6 =	simm.s32 $0x108;
	_ =	swait.ge @!p0 [sflag:s8], $0x0  }
0x24: {  	s3 =	sadd.s32 $0x88, s3;
	s6 =	simm.s32 @!p1 $0x1082;
	[sflag:s4] =	ssyncset.s32 $0xFFFFF086  }
0x25: {  	[simem:s6], [sflag:s4] =	dma.local [hbm:s3], $0xF7A  }
0x26: {  	[smem:$0x3F9D] =	sst s1;
	(tag) =	ssettag s2;
	_ =	strace s9  }
0x27: {  	s1 =	sld [smem:$0x3FAD]  }
0x28: {  	s2 =	sld [smem:$0x3FAE]  }
0x29: {  	s4 =	sld [smem:$0x3FB0]  }
0x2a: {  	p0 =	seq.s32 s5, $0x0;
	s5 =	sld [smem:$0x3FB1]  }
0x2b: {  	s6 =	sld [smem:$0x3FB2]  }
0x2c: {  	s7 =	sld [smem:$0x3FB3]  }
0x2d: {  	s3 =	simm.s32 $0x108;
	s8 =	sld [smem:$0x3FB4]  }
0x2e: {  	s3 =	simm.s32 @!p0 $0x1082;
	s9 =	sld [smem:$0x3FB5]  }
0x2f: {  	lr =	sadd.s32 s0, s3;
	s0 =	sld [smem:$0x3FAC]  }
0x30: {  	s3 =	sld [smem:$0x3FAF]  }
0x31: {  	[smem:$0x3FB8] =	sst s10  }
0x32: {  	s10 =	sld [smem:$0x3FB6];
	_ =	sdelay $0x3  }
0x33: {  	p0 =	seq.s32 s10, $0x1;
	s10 =	sld [smem:$0x3FB8];
	_ =	sdelay $0x3  }
0x34: {  	[smem:$0x3FB8] =	sst s10  }
0x35: {  	s10 =	sld [smem:$0x3FB7];
	_ =	sdelay $0x3  }
0x36: {  	p1 =	seq.s32 s10, $0x1;
	s10 =	sld [smem:$0x3FB8];
	_ =	sdelay $0x3  }
0x37: {  	[smem:$0x3FB8] =	sst s10  }
0x38: {  	s10 =	sld [smem:$0x3FB9]  }
0x39: {  	_ = 	snop;
	(pc) =	sbr.ind lr, $3  }
0x3a: {  	_ = 	snop  }
0x3b: {  	_ = 	snop  }
0x3c: {  	p2 =	seq.s32 s10, $0x1;
	s10 =	sld [smem:$0x3FB8]  }
0x3d: {  	_ =	shalt  }
0x3e: {  	_ =	shalt  }
0x3f: {  	_ =	shalt  }
0x40: {  	_ =	shalt  }
0x41: {  	_ =	shalt  }
0x42: {  	_ =	shalt  }
0x43: {  	_ =	shalt  }
0x44: {  	_ =	shalt  }
0x45: {  	_ =	shalt  }
0x46: {  	_ =	shalt  }
0x47: {  	_ =	shalt  }
0x48: {  	_ =	shalt  }
0x49: {  	_ =	shalt  }
0x4a: {  	_ =	shalt  }
0x4b: {  	_ =	shalt  }
0x4c: {  	_ =	shalt  }
0x4d: {  	_ =	shalt  }
0x4e: {  	_ =	shalt  }
0x4f: {  	_ =	shalt  }
0x50: {  	_ =	shalt  }
0x51: {  	_ =	shalt  }
0x52: {  	_ =	shalt  }
0x53: {  	_ =	shalt  }
0x54: {  	_ =	shalt  }
0x55: {  	_ =	shalt  }
0x56: {  	_ =	shalt  }
0x57: {  	_ =	shalt  }
0x58: {  	_ =	shalt  }
0x59: {  	_ =	shalt  }
0x5a: {  	_ =	shalt  }
0x5b: {  	_ =	shalt  }
0x5c: {  	_ =	shalt  }
0x5d: {  	_ =	shalt  }
0x5e: {  	_ =	shalt  }
0x5f: {  	_ =	shalt  }
0x60: {  	_ =	shalt  }
0x61: {  	_ =	shalt  }
0x62: {  	_ =	shalt  }
0x63: {  	_ =	shalt  }
0x64: {  	_ =	shalt  }
0x65: {  	_ =	shalt  }
0x66: {  	_ =	shalt  }
0x67: {  	_ =	shalt  }
0x68: {  	_ =	shalt  }
0x69: {  	_ =	shalt  }
0x6a: {  	_ =	shalt  }
0x6b: {  	_ =	shalt  }
0x6c: {  	_ =	shalt  }
0x6d: {  	_ =	shalt  }
0x6e: {  	_ =	shalt  }
0x6f: {  	_ =	shalt  }
0x70: {  	_ =	shalt  }
0x71: {  	_ =	shalt  }
0x72: {  	_ =	shalt  }
0x73: {  	_ =	shalt  }
0x74: {  	_ =	shalt  }
0x75: {  	_ =	shalt  }
0x76: {  	_ =	shalt  }
0x77: {  	_ =	shalt  }
0x78: {  	_ =	shalt  }
0x79: {  	_ =	shalt  }
0x7a: {  	_ =	shalt  }
0x7b: {  	_ =	shalt  }
0x7c: {  	_ =	shalt  }
0x7d: {  	_ =	shalt  }
0x7e: {  	_ =	shalt  }
0x7f: {  	_ =	shalt  }
0x80: {  	_ =	shalt  }
0x81: {  	_ =	shalt  }
0x82: {  	_ =	shalt  }
0x83: {  	_ =	shalt  }
0x84: {  	_ =	shalt  }
0x85: {  	_ =	shalt  }
0x86: {  	_ =	shalt  }
0x87: {  	_ =	shalt  }
.Lfunc_end0:
.L_simem_size_0:
called_computation_lowered:
.L_overlay_start_0:
0x88: {  	s2 =	sld [smem:$0x3FD9]  }
0x89: {  	s3 =	sld [smem:$0x3FFE];
	_ =	sdelay $0x1  }
0x8a: {  	s1 =	srdreg.scid  }
0x8b: {  	s0 =	sand.u32 $0x1, s1  }
0x8c: {  	s16 =	sshll.u32 s0, $0xA;
	s2 =	sadd.s32 s3, s2  }
0x8d: {  	s2 =	sadd.s32 s2, s16  }
0x8e: {  	[smem:$0x3FC4] =	sst s2  }
0x8f: {  	_ = 	snop  }
0x90: {  	(tm) =	ssettm $0x1  }
0x91: {  	s17 =	sld [smem:$0x3FFB];
	_ =	sdelay $0x3  }
0x92: {  	_ =	strace s17  }
0x93: {  	s2 =	sld [smem:$0x3FFC];
	_ =	sdelay $0x3  }
0x94: {  	_ =	strace s2  }
0x95: {  	s2 =	sld [smem:$0x3FFD];
	_ =	sdelay $0x3  }
0x96: {  	_ =	strace s2  }
0x97: {  	_ =	strace $0x8FFFFFFF  }
0x98: {  	s18 =	sld [smem:$0x3FDB];
	_ =	sdelay $0x1  }
0x99: {  	s19 =	simm.s32 $_scs_section_size  }
0x9a: {  	s4 =	simm.s32 $_size__tile_overlayer_lowered;
	s5 =	simm.s32 $_tile_overlayer_lowered  }
0x9b: {  	s22 =	simm.s32 $0x1BFF;
	s21 =	sshll.u32 s5, $0x1;
	s2 =	sadd.s32 s19, s18  }
0x9c: {  	s6 =	simm.s32 $0x0;
	s20 =	sshll.u32 s4, $0x1;
	s4 =	sadd.s32 s21, s2  }
0x9d: {  	[timem:s6], [sflag:s22] =	dma.local [hbm:s4], s20  }
0x9e: {  	_ =	swait.ge [sflag:s22], s20  }
0x9f: {  	s3 =	ssub.s32 $0x0, s20;
	[sflag:s22] =	ssyncset.done $0x0  }
0xa0: {  	[sflag:s22] =	ssyncadd.s32 s3;
	_ =	sdelay $0x1  }
0xa1: {  	s23 =	simm.s32 $0x1B8B  }
0xa2: {  	_ =	swait.ge [sflag:s23], $0x1  }
0xa3: {  	[sflag:s23] =	ssyncset.done $0x0  }
0xa4: {  	s25 =	simm.s32 $0x1B8E;
	s24 =	sld [smem:$0x3FFE];
	[sflag:s23] =	ssyncadd.s32 $0xFFFFFFFF  }
0xa5: {  	s26 =	simm.s32 $execute0_lowered;
	[smem:$0x3FD2] =	sst s25  }
0xa6: {  	s4 =	sshll.u32 s26, $0x1;
	_ =	strace $0x80000046;
	[dreg:$0x1] =	wrdreg $0xFFFFFFFF  }
0xa7: {  	s28 =	simm.s32 $_size_execute0_lowered;
	s2 =	sadd.s32 s2, s4;
	[dreg:$0x0] =	wrdreg $0x0  }
0xa8: {  	s4 =	sshll.u32 s28, $0x1;
	[dreg:$0x2] =	wrdreg s2  }
0xa9: {  	[dreg:$0x3] =	wrdreg s4  }
0xaa: {  	[dreg:$0x4] =	wrdreg $0xC0  }
0xab: {  	_ =	task [dreg:s6], $0x5FFFF  }
0xac: {  	[dreg:$0x1] =	wrdreg $0xFFFFFFFF  }
0xad: {  	[dreg:$0x0] =	wrdreg $0x60  }
0xae: {  	[dreg:$0x2] =	wrdreg s24  }
0xaf: {  	[dreg:$0x3] =	wrdreg $0x9  }
0xb0: {  	_ =	task.clear_ibuf [dreg:s6], $0x4FFFF;
	_ =	strace $0x90000046  }
0xb1: {  	s29 =	simm.s32 $0x9;
	_ =	strace $0x80000048  }
0xb2: {  	_ =	swait.ge [sflag:s29], $0x1  }
0xb3: {  	[sflag:s29] =	ssyncadd.s32 $0xFFFFFFFF  }
0xb4: {  	_ =	strace $0x90000048  }
0xb5: {  	_ =	sfence  }
0xb6: {  	s30 =	sld [smem:$0x0];
	_ =	sdelay $0x2  }
0xb7: {  	s31 =	sshll.u32 s1, $0xD;
	s1 =	sshrl.u32 s1, $0x2  }
0xb8: {  	s3 =	sand.u32 $0x4000, s31;
	s1 =	sadd.s32 s1, s30  }
0xb9: {  	s0 =	sor.u32 s3, s0;
	s1 =	sshll.u32 s1, $0x11  }
0xba: {  	s0 =	sor.u32 s1, s0  }
0xbb: {  	s0 =	sadd.s32 $0x8F2B, s0  }
0xbc: {  	[sflag:s0] =	ssyncadd.remote.s32 $0x1  }
0xbd: {  	_ =	sfence.sel $0xFFFF  }
0xbe: {  	[dreg:$0x0] =	wrdreg $0xFFFFFFFF;
	(pc) =	sbr.abs _section_cstart, $3  }
0xbf: {  	[dreg:$0x1] =	wrdreg $0xFFFFFFFF  }
0xc0: {  	_ =	task.clear_ibuf [dreg:s6], $0x2FFFF;
	_ =	strace $0x9FFFFFFF  }
0xc1: {  	(tm) =	ssettm $0x7FFFFFFF  }
tec
execute0_lowered:
.L_overlay_start_1:
0x0: {  	(tag) =	ssettag $0x1  }
0x1: {  	s4 =	rddreg [dreg:$0x0]  }
0x2: {  	s0 =	rddreg [dreg:$0x1];
	s2 =	simm.s32 $0x0;
	s3 =	srdreg.scid  }
0x3: {  	s1 =	stileid.u32;
	s12 =	simm.s32 $0x80;
	s13 =	simm.s32 $0x400  }
0x4: {  	s14 =	simm.s32 $0x200;
	s15 =	simm.s32 $0x600;
	s16 =	simm.s32 $0x800  }
0x5: {  	s17 =	simm.s32 $0xA00;
	s18 =	simm.s32 $0x1;
	s19 =	simm.s32 $0xC00  }
0x6: {  	s20 =	simm.s32 $0x2;
	s21 =	simm.s32 $0x1800;
	s22 =	simm.s32 $0x3  }
0x7: {  	[smem:$0x7FF] =	sst s2;
	s5 =	sand.u32 $0x1, s3;
	s30 =	sshll.u32 s1, $0x1  }
0x8: {  	s3 =	sadd.s32 $0x4E00, s4;
	_ =	strace $0x80000047;
	s6 =	sor.u32 s5, s30  }
0x9: {  	s5 =	ssub.s32 $0x2, s5;
	s7 =	sshll.u32 s6, $0x9;
	s6 =	sshll.u32 s6, $0x4  }
0xa: {  	s31 =	sshrl.u32 s5, $0x1;
	s9 =	sadd.s32 s7, s4;
	s10 =	sadd.s32 s6, s4  }
0xb: {  	s11 =	ssub.s32 s5, s31;
	s4 =	sadd.s32 $0xE00, s9;
	s5 =	sadd.s32 $0xE10, s9  }
0xc: {  	s6 =	sadd.s32 $0xE20, s9;
	s7 =	sadd.s32 $0xE30, s9;
	s8 =	sadd.s32 $0xE40, s9  }
0xd: {  	s9 =	sadd.s32 $0xE50, s9;
	s10 =	sadd.s32 $0x24E00, s10;
	s11 =	smax.u32 s11, $0x1  }
.LBB2_1:
0xe: {  	[tilespmem:s2], [sflag:$0x1] =	stream.strided.gather [hbm4b:s4+s12], $0x200, s13, s12, $0x38;
	[tilespmem:$0x1880] =	vst v63  }
0xf: {  	_ = 	snop  }
0x10: {  	[tilespmem:s14], [sflag:$0x1] =	stream.strided.gather [hbm4b:s5+s12], $0x200, s13, s12, $0x38;
	[tilespmem:$0x1880] =	vst v63  }
0x11: {  	_ = 	snop  }
0x12: {  	[tilespmem:s13], [sflag:$0x1] =	stream.strided.gather [hbm4b:s6+s12], $0x200, s13, s12, $0x38;
	[tilespmem:$0x1880] =	vst v63  }
0x13: {  	_ = 	snop  }
0x14: {  	[tilespmem:s15], [sflag:$0x1] =	stream.strided.gather [hbm4b:s7+s12], $0x200, s13, s12, $0x38;
	[tilespmem:$0x1880] =	vst v63  }
0x15: {  	_ = 	snop  }
0x16: {  	[tilespmem:s16], [sflag:$0x1] =	stream.strided.gather [hbm4b:s8+s12], $0x200, s13, s12, $0x38;
	[tilespmem:$0x1880] =	vst v63  }
0x17: {  	_ = 	snop  }
0x18: {  	[tilespmem:s17], [sflag:$0x1] =	stream.strided.gather [hbm4b:s9+s12], $0x200, s13, s12, $0x38;
	[tilespmem:$0x1880] =	vst v63  }
0x19: {  	_ =	swait.ge [sflag:s18], $0x200  }
0x1a: {  	[sflag:s18] =	ssyncset.done $0x0  }
0x1b: {  	[sflag:s18] =	ssyncadd.s32 $0xFFFFFE00  }
0x1c: {  	_ =	swait.ge [sflag:s18], $0x200  }
0x1d: {  	[sflag:s18] =	ssyncset.done $0x0  }
0x1e: {  	[sflag:s18] =	ssyncadd.s32 $0xFFFFFE00  }
0x1f: {  	_ =	swait.ge [sflag:s18], $0x200  }
0x20: {  	[sflag:s18] =	ssyncset.done $0x0  }
0x21: {  	[sflag:s18] =	ssyncadd.s32 $0xFFFFFE00  }
0x22: {  	_ =	swait.ge [sflag:s18], $0x200  }
0x23: {  	[sflag:s18] =	ssyncset.done $0x0  }
0x24: {  	[sflag:s18] =	ssyncadd.s32 $0xFFFFFE00  }
0x25: {  	_ =	swait.ge [sflag:s18], $0x200  }
0x26: {  	[sflag:s18] =	ssyncset.done $0x0  }
0x27: {  	[sflag:s18] =	ssyncadd.s32 $0xFFFFFE00  }
0x28: {  	_ =	swait.ge [sflag:s18], $0x200  }
0x29: {  	[sflag:s18] =	ssyncset.done $0x0  }
0x2a: {  	[sflag:s18] =	ssyncadd.s32 $0xFFFFFE00  }
0x2b: {  	[tilespmem:s19], [sflag:$0x2] =	stream.indirect.gather [hbm4b:s3+s19], $0x1, s2, s19, $0xb8;
	[tilespmem:$0x1880] =	vst v63  }
0x2c: {  	_ =	swait.ge [sflag:s20], $0xC00  }
0x2d: {  	[sflag:s20] =	ssyncset.done $0x0  }
0x2e: {  	[sflag:s20] =	ssyncadd.s32 $0xFFFFF400  }
0x2f: {  	v31 =	vld [tilespmem:$0xC00];
	_ =	sdelay $0x1  }
0x30: {  	v30 =	vld [tilespmem:$0xC10];
	_ =	sdelay $0x1  }
0x31: {  	v29 =	vld [tilespmem:$0xC20]  }
0x32: {  	v0 =	vmul.f32 $1.442695020e+00, v31  }
0x33: {  	v28 =	vld [tilespmem:$0xC30]  }
0x34: {  	v47 =	vmul.f32 $1.442695020e+00, v30;
	(erf) = vpow2.f32 v0  }
0x35: {  	v27 =	vld [tilespmem:$0xC40]  }
0x36: {  	v48 =	vmul.f32 $1.442695020e+00, v29;
	(erf) = vpow2.f32 v47  }
0x37: {  	v26 =	vld [tilespmem:$0xC50]  }
0x38: {  	v49 =	vmul.f32 $1.442695020e+00, v28;
	(erf) = vpow2.f32 v48  }
0x39: {  	v25 =	vld [tilespmem:$0xC60]  }
0x3a: {  	v50 =	vmul.f32 $1.442695020e+00, v27;
	(erf) = vpow2.f32 v49  }
0x3b: {  	v24 =	vld [tilespmem:$0xC70]  }
0x3c: {  	v51 =	vmul.f32 $1.442695020e+00, v26;
	(erf) = vpow2.f32 v50  }
0x3d: {  	v23 =	vld [tilespmem:$0xC80];
	v1 =	vpop (erf)  }
0x3e: {  	v52 =	vmul.f32 $1.442695020e+00, v25;
	(erf) = vpow2.f32 v51;
	v1 =	vadd.f32 $0.0e+00, v1  }
0x3f: {  	v20 =	vld [tilespmem:$0xC90];
	v2 =	vpop (erf)  }
0x40: {  	v53 =	vmul.f32 $1.442695020e+00, v24;
	(erf) = vpow2.f32 v52;
	v1 =	vadd.f32 v2, v1  }
0x41: {  	v17 =	vld [tilespmem:$0xCA0];
	v54 =	vpop (erf)  }
0x42: {  	v55 =	vmul.f32 $1.442695020e+00, v23;
	(erf) = vpow2.f32 v53;
	v1 =	vadd.f32 v54, v1  }
0x43: {  	v15 =	vld [tilespmem:$0xCB0];
	v56 =	vpop (erf)  }
0x44: {  	v14 =	vld [tilespmem:$0xCC0];
	v57 =	vmul.f32 $1.442695020e+00, v20;
	(erf) = vpow2.f32 v55;
	v1 =	vadd.f32 v56, v1  }
0x45: {  	v13 =	vld [tilespmem:$0xCD0];
	v58 =	vpop (erf)  }
0x46: {  	v12 =	vld [tilespmem:$0xCE0];
	v59 =	vmul.f32 $1.442695020e+00, v17;
	(erf) = vpow2.f32 v57;
	v1 =	vadd.f32 v58, v1  }
0x47: {  	v11 =	vld [tilespmem:$0xCF0];
	v60 =	vpop (erf)  }
0x48: {  	v10 =	vld [tilespmem:$0xD00];
	v61 =	vmul.f32 $1.442695020e+00, v15;
	(erf) = vpow2.f32 v59;
	v1 =	vadd.f32 v60, v1  }
0x49: {  	v9 =	vld [tilespmem:$0xD10];
	v3 =	vmul.f32 $1.442695020e+00, v14;
	v62 =	vpop (erf)  }
0x4a: {  	v8 =	vld [tilespmem:$0xD20];
	v63 =	vmul.f32 $1.442695020e+00, v13;
	(erf) = vpow2.f32 v61;
	v1 =	vadd.f32 v62, v1  }
0x4b: {  	v7 =	vld [tilespmem:$0xD30];
	v18 =	vmul.f32 $1.442695020e+00, v12;
	v16 =	vpop (erf);
	(erf) = vpow2.f32 v3  }
0x4c: {  	v6 =	vld [tilespmem:$0xD40];
	v19 =	vmul.f32 $1.442695020e+00, v11;
	(erf) = vpow2.f32 v63;
	v1 =	vadd.f32 v16, v1  }
0x4d: {  	v5 =	vld [tilespmem:$0xD50];
	v22 =	vmul.f32 $1.442695020e+00, v10;
	v21 =	vpop (erf);
	(erf) = vpow2.f32 v18  }
0x4e: {  	v4 =	vld [tilespmem:$0xD60];
	v32 =	vmul.f32 $1.442695020e+00, v9;
	(erf) = vpow2.f32 v19;
	v1 =	vadd.f32 v21, v1  }
0x4f: {  	v3 =	vld [tilespmem:$0xD70];
	v33 =	vpop (erf);
	(erf) = vpow2.f32 v22;
	v16 =	vmul.f32 $1.442695020e+00, v8  }
0x50: {  	v34 =	vmul.f32 $1.442695020e+00, v7;
	v2 =	vld [tilespmem:$0xD80];
	(erf) = vpow2.f32 v32;
	v18 =	vadd.f32 v33, v1  }
0x51: {  	v35 =	vmul.f32 $1.442695020e+00, v6;
	v19 =	vpop (erf);
	(erf) = vpow2.f32 v16;
	v1 =	vld [tilespmem:$0xD90]  }
0x52: {  	v36 =	vmul.f32 $1.442695020e+00, v5;
	v0 =	vld [tilespmem:$0xDA0];
	(erf) = vpow2.f32 v34;
	v18 =	vadd.f32 v19, v18  }
0x53: {  	v37 =	vmul.f32 $1.442695020e+00, v4;
	v21 =	vpop (erf);
	(erf) = vpow2.f32 v35  }
0x54: {  	v39 =	vmul.f32 $1.442695020e+00, v3;
	v38 =	vpop (erf);
	(erf) = vpow2.f32 v36;
	v18 =	vadd.f32 v21, v18  }
0x55: {  	v40 =	vmul.f32 $1.442695020e+00, v2;
	v22 =	vpop (erf);
	(erf) = vpow2.f32 v37  }
0x56: {  	v41 =	vpop (erf);
	(erf) = vpow2.f32 v39;
	v42 =	vmul.f32 $1.442695020e+00, v1;
	v18 =	vadd.f32 v38, v18  }
0x57: {  	v43 =	vmul.f32 $1.442695020e+00, v0;
	v32 =	vpop (erf);
	(erf) = vpow2.f32 v40  }
0x58: {  	v44 =	vpop (erf);
	(erf) = vpow2.f32 v42;
	v18 =	vadd.f32 v22, v18  }
0x59: {  	v45 =	vpop (erf);
	(erf) = vpow2.f32 v43  }
0x5a: {  	v46 =	vpop (erf);
	v18 =	vadd.f32 v41, v18  }
0x5b: {  	v33 =	vpop (erf)  }
0x5c: {  	v34 =	vpop (erf);
	v18 =	vadd.f32 v32, v18  }
0x5d: {  	v47 =	vpop (erf)  }
0x5e: {  	v48 =	vpop (erf);
	v18 =	vadd.f32 v44, v18  }
0x5f: {  	v35 =	vpop (erf)  }
0x60: {  	v36 =	vpop (erf);
	v18 =	vadd.f32 v45, v18  }
0x61: {  	v37 =	vpop (erf)  }
0x62: {  	v38 =	vpop (erf);
	v16 =	vadd.f32 v46, v18  }
0x63: {  	v21 =	vld [tilespmem:$0xDB0]  }
0x64: {  	v16 =	vadd.f32 v33, v16  }
0x65: {  	v18 =	vld [tilespmem:$0xDC0]  }
0x66: {  	v49 =	vadd.f32 v34, v16  }
0x67: {  	v16 =	vld [tilespmem:$0xDD0]  }
0x68: {  	v50 =	vmul.f32 $1.442695020e+00, v21;
	v32 =	vadd.f32 v47, v49  }
0x69: {  	v19 =	vld [tilespmem:$0xDE0]  }
0x6a: {  	v51 =	vmul.f32 $1.442695020e+00, v18;
	(erf) = vpow2.f32 v50;
	v32 =	vadd.f32 v48, v32  }
0x6b: {  	v22 =	vld [tilespmem:$0xDF0]  }
0x6c: {  	(erf) = vpow2.f32 v51;
	v52 =	vmul.f32 $1.442695020e+00, v16;
	v32 =	vadd.f32 v35, v32  }
0x6d: {  	v53 =	vld [tilespmem:$0xE00]  }
0x6e: {  	v54 =	vmul.f32 $1.442695020e+00, v19;
	(erf) = vpow2.f32 v52;
	v32 =	vadd.f32 v36, v32  }
0x6f: {  	v55 =	vld [tilespmem:$0xE10]  }
0x70: {  	v56 =	vmul.f32 $1.442695020e+00, v22;
	(erf) = vpow2.f32 v54;
	v32 =	vadd.f32 v37, v32  }
0x71: {  	v57 =	vld [tilespmem:$0xE20]  }
0x72: {  	v58 =	vmul.f32 $1.442695020e+00, v53;
	(erf) = vpow2.f32 v56;
	v32 =	vadd.f32 v38, v32  }
0x73: {  	v60 =	vld [tilespmem:$0xE30];
	v59 =	vpop (erf)  }
0x74: {  	v61 =	vmul.f32 $1.442695020e+00, v55;
	(erf) = vpow2.f32 v58;
	v32 =	vadd.f32 v59, v32  }
0x75: {  	v63 =	vld [tilespmem:$0xE40];
	v62 =	vpop (erf)  }
0x76: {  	v40 =	vmul.f32 $1.442695020e+00, v57;
	(erf) = vpow2.f32 v61;
	v32 =	vadd.f32 v62, v32  }
0x77: {  	v42 =	vld [tilespmem:$0xE50];
	v41 =	vpop (erf)  }
0x78: {  	v43 =	vmul.f32 $1.442695020e+00, v60;
	(erf) = vpow2.f32 v40;
	v32 =	vadd.f32 v41, v32  }
0x79: {  	v45 =	vld [tilespmem:$0xE60];
	v44 =	vpop (erf)  }
0x7a: {  	v46 =	vmul.f32 $1.442695020e+00, v63;
	(erf) = vpow2.f32 v43;
	v32 =	vadd.f32 v44, v32  }
0x7b: {  	v48 =	vld [tilespmem:$0xE70];
	v47 =	vpop (erf)  }
0x7c: {  	v49 =	vmul.f32 $1.442695020e+00, v42;
	(erf) = vpow2.f32 v46;
	v32 =	vadd.f32 v47, v32  }
0x7d: {  	v51 =	vld [tilespmem:$0xE80];
	v50 =	vpop (erf)  }
0x7e: {  	v52 =	vmul.f32 $1.442695020e+00, v45;
	(erf) = vpow2.f32 v49;
	v32 =	vadd.f32 v50, v32  }
0x7f: {  	v54 =	vld [tilespmem:$0xE90];
	v53 =	vpop (erf)  }
0x80: {  	v55 =	vmul.f32 $1.442695020e+00, v48;
	(erf) = vpow2.f32 v52;
	v32 =	vadd.f32 v53, v32  }
0x81: {  	v57 =	vld [tilespmem:$0xEA0];
	v56 =	vpop (erf)  }
0x82: {  	v58 =	vmul.f32 $1.442695020e+00, v51;
	(erf) = vpow2.f32 v55;
	v32 =	vadd.f32 v56, v32  }
0x83: {  	v60 =	vld [tilespmem:$0xEB0];
	v59 =	vpop (erf)  }
0x84: {  	v61 =	vmul.f32 $1.442695020e+00, v54;
	(erf) = vpow2.f32 v58;
	v32 =	vadd.f32 v59, v32  }
0x85: {  	v63 =	vld [tilespmem:$0xEC0];
	v62 =	vpop (erf)  }
0x86: {  	v40 =	vmul.f32 $1.442695020e+00, v57;
	(erf) = vpow2.f32 v61;
	v32 =	vadd.f32 v62, v32  }
0x87: {  	v42 =	vld [tilespmem:$0xED0];
	v41 =	vpop (erf)  }
0x88: {  	v43 =	vmul.f32 $1.442695020e+00, v60;
	(erf) = vpow2.f32 v40;
	v32 =	vadd.f32 v41, v32  }
0x89: {  	v45 =	vld [tilespmem:$0xEE0];
	v44 =	vpop (erf)  }
0x8a: {  	v46 =	vmul.f32 $1.442695020e+00, v63;
	(erf) = vpow2.f32 v43;
	v32 =	vadd.f32 v44, v32  }
0x8b: {  	v48 =	vld [tilespmem:$0xEF0];
	v47 =	vpop (erf)  }
0x8c: {  	v49 =	vmul.f32 $1.442695020e+00, v42;
	(erf) = vpow2.f32 v46;
	v32 =	vadd.f32 v47, v32  }
0x8d: {  	v51 =	vld [tilespmem:$0xF00];
	v50 =	vpop (erf)  }
0x8e: {  	v52 =	vmul.f32 $1.442695020e+00, v45;
	(erf) = vpow2.f32 v49;
	v32 =	vadd.f32 v50, v32  }
0x8f: {  	v54 =	vld [tilespmem:$0xF10];
	v53 =	vpop (erf)  }
0x90: {  	v55 =	vmul.f32 $1.442695020e+00, v48;
	(erf) = vpow2.f32 v52;
	v32 =	vadd.f32 v53, v32  }
0x91: {  	v57 =	vld [tilespmem:$0xF20];
	v56 =	vpop (erf)  }
0x92: {  	v58 =	vmul.f32 $1.442695020e+00, v51;
	(erf) = vpow2.f32 v55;
	v32 =	vadd.f32 v56, v32  }
0x93: {  	v60 =	vld [tilespmem:$0xF30];
	v59 =	vpop (erf)  }
0x94: {  	v61 =	vmul.f32 $1.442695020e+00, v54;
	(erf) = vpow2.f32 v58;
	v32 =	vadd.f32 v59, v32  }
0x95: {  	v63 =	vld [tilespmem:$0xF40];
	v62 =	vpop (erf)  }
0x96: {  	v40 =	vmul.f32 $1.442695020e+00, v57;
	(erf) = vpow2.f32 v61;
	v32 =	vadd.f32 v62, v32  }
0x97: {  	v42 =	vld [tilespmem:$0xF50];
	v41 =	vpop (erf)  }
0x98: {  	v43 =	vmul.f32 $1.442695020e+00, v60;
	(erf) = vpow2.f32 v40;
	v32 =	vadd.f32 v41, v32  }
0x99: {  	v45 =	vld [tilespmem:$0xF60];
	v44 =	vpop (erf)  }
0x9a: {  	v46 =	vmul.f32 $1.442695020e+00, v63;
	(erf) = vpow2.f32 v43;
	v32 =	vadd.f32 v44, v32  }
0x9b: {  	v48 =	vld [tilespmem:$0xF70];
	v47 =	vpop (erf)  }
0x9c: {  	v49 =	vmul.f32 $1.442695020e+00, v42;
	(erf) = vpow2.f32 v46;
	v32 =	vadd.f32 v47, v32  }
0x9d: {  	v51 =	vld [tilespmem:$0xF80];
	v50 =	vpop (erf)  }
0x9e: {  	v52 =	vmul.f32 $1.442695020e+00, v45;
	(erf) = vpow2.f32 v49;
	v32 =	vadd.f32 v50, v32  }
0x9f: {  	v54 =	vld [tilespmem:$0xF90];
	v53 =	vpop (erf)  }
0xa0: {  	v55 =	vmul.f32 $1.442695020e+00, v48;
	(erf) = vpow2.f32 v52;
	v32 =	vadd.f32 v53, v32  }
0xa1: {  	v57 =	vld [tilespmem:$0xFA0];
	v56 =	vpop (erf)  }
0xa2: {  	v58 =	vmul.f32 $1.442695020e+00, v51;
	(erf) = vpow2.f32 v55;
	v32 =	vadd.f32 v56, v32  }
0xa3: {  	v60 =	vld [tilespmem:$0xFB0];
	v59 =	vpop (erf)  }
0xa4: {  	v61 =	vmul.f32 $1.442695020e+00, v54;
	(erf) = vpow2.f32 v58;
	v32 =	vadd.f32 v59, v32  }
0xa5: {  	v63 =	vld [tilespmem:$0xFC0];
	v62 =	vpop (erf)  }
0xa6: {  	v40 =	vmul.f32 $1.442695020e+00, v57;
	(erf) = vpow2.f32 v61;
	v32 =	vadd.f32 v62, v32  }
0xa7: {  	v42 =	vld [tilespmem:$0xFD0];
	v41 =	vpop (erf)  }
0xa8: {  	v43 =	vmul.f32 $1.442695020e+00, v60;
	(erf) = vpow2.f32 v40;
	v32 =	vadd.f32 v41, v32  }
0xa9: {  	v45 =	vld [tilespmem:$0xFE0];
	v44 =	vpop (erf)  }
0xaa: {  	v46 =	vmul.f32 $1.442695020e+00, v63;
	(erf) = vpow2.f32 v43;
	v32 =	vadd.f32 v44, v32  }
0xab: {  	v48 =	vld [tilespmem:$0xFF0];
	v47 =	vpop (erf)  }
0xac: {  	v49 =	vmul.f32 $1.442695020e+00, v42;
	(erf) = vpow2.f32 v46;
	v32 =	vadd.f32 v47, v32  }
0xad: {  	v51 =	vld [tilespmem:$0x1000];
	v50 =	vpop (erf)  }
0xae: {  	v52 =	vmul.f32 $1.442695020e+00, v45;
	(erf) = vpow2.f32 v49;
	v32 =	vadd.f32 v50, v32  }
0xaf: {  	v54 =	vld [tilespmem:$0x1010];
	v53 =	vpop (erf)  }
0xb0: {  	v55 =	vmul.f32 $1.442695020e+00, v48;
	(erf) = vpow2.f32 v52;
	v32 =	vadd.f32 v53, v32  }
0xb1: {  	v57 =	vld [tilespmem:$0x1020];
	v56 =	vpop (erf)  }
0xb2: {  	v58 =	vmul.f32 $1.442695020e+00, v51;
	(erf) = vpow2.f32 v55;
	v32 =	vadd.f32 v56, v32  }
0xb3: {  	v60 =	vld [tilespmem:$0x1030];
	v59 =	vpop (erf)  }
0xb4: {  	v61 =	vmul.f32 $1.442695020e+00, v54;
	(erf) = vpow2.f32 v58;
	v32 =	vadd.f32 v59, v32  }
0xb5: {  	v63 =	vld [tilespmem:$0x1040];
	v62 =	vpop (erf)  }
0xb6: {  	v40 =	vmul.f32 $1.442695020e+00, v57;
	(erf) = vpow2.f32 v61;
	v32 =	vadd.f32 v62, v32  }
0xb7: {  	v42 =	vld [tilespmem:$0x1050];
	v41 =	vpop (erf)  }
0xb8: {  	v43 =	vmul.f32 $1.442695020e+00, v60;
	(erf) = vpow2.f32 v40;
	v32 =	vadd.f32 v41, v32  }
0xb9: {  	v45 =	vld [tilespmem:$0x1060];
	v44 =	vpop (erf)  }
0xba: {  	v46 =	vmul.f32 $1.442695020e+00, v63;
	(erf) = vpow2.f32 v43;
	v32 =	vadd.f32 v44, v32  }
0xbb: {  	v48 =	vld [tilespmem:$0x1070];
	v47 =	vpop (erf)  }
0xbc: {  	v49 =	vmul.f32 $1.442695020e+00, v42;
	(erf) = vpow2.f32 v46;
	v32 =	vadd.f32 v47, v32  }
0xbd: {  	v51 =	vld [tilespmem:$0x1080];
	v50 =	vpop (erf)  }
0xbe: {  	v52 =	vmul.f32 $1.442695020e+00, v45;
	(erf) = vpow2.f32 v49;
	v32 =	vadd.f32 v50, v32  }
0xbf: {  	v54 =	vld [tilespmem:$0x1090];
	v53 =	vpop (erf)  }
0xc0: {  	v55 =	vmul.f32 $1.442695020e+00, v48;
	(erf) = vpow2.f32 v52;
	v32 =	vadd.f32 v53, v32  }
0xc1: {  	v57 =	vld [tilespmem:$0x10A0];
	v56 =	vpop (erf)  }
0xc2: {  	v58 =	vmul.f32 $1.442695020e+00, v51;
	(erf) = vpow2.f32 v55;
	v32 =	vadd.f32 v56, v32  }
0xc3: {  	v60 =	vld [tilespmem:$0x10B0];
	v59 =	vpop (erf)  }
0xc4: {  	v61 =	vmul.f32 $1.442695020e+00, v54;
	(erf) = vpow2.f32 v58;
	v32 =	vadd.f32 v59, v32  }
0xc5: {  	v63 =	vld [tilespmem:$0x10C0];
	v62 =	vpop (erf)  }
0xc6: {  	v40 =	vmul.f32 $1.442695020e+00, v57;
	(erf) = vpow2.f32 v61;
	v32 =	vadd.f32 v62, v32  }
0xc7: {  	v42 =	vld [tilespmem:$0x10D0];
	v41 =	vpop (erf)  }
0xc8: {  	v43 =	vmul.f32 $1.442695020e+00, v60;
	(erf) = vpow2.f32 v40;
	v32 =	vadd.f32 v41, v32  }
0xc9: {  	v45 =	vld [tilespmem:$0x10E0];
	v44 =	vpop (erf)  }
0xca: {  	v46 =	vmul.f32 $1.442695020e+00, v63;
	(erf) = vpow2.f32 v43;
	v32 =	vadd.f32 v44, v32  }
0xcb: {  	v48 =	vld [tilespmem:$0x10F0];
	v47 =	vpop (erf)  }
0xcc: {  	v49 =	vmul.f32 $1.442695020e+00, v42;
	(erf) = vpow2.f32 v46;
	v32 =	vadd.f32 v47, v32  }
0xcd: {  	v51 =	vld [tilespmem:$0x1100];
	v50 =	vpop (erf)  }
0xce: {  	v52 =	vmul.f32 $1.442695020e+00, v45;
	(erf) = vpow2.f32 v49;
	v32 =	vadd.f32 v50, v32  }
0xcf: {  	v54 =	vld [tilespmem:$0x1110];
	v53 =	vpop (erf)  }
0xd0: {  	v55 =	vmul.f32 $1.442695020e+00, v48;
	(erf) = vpow2.f32 v52;
	v32 =	vadd.f32 v53, v32  }
0xd1: {  	v57 =	vld [tilespmem:$0x1120];
	v56 =	vpop (erf)  }
0xd2: {  	v58 =	vmul.f32 $1.442695020e+00, v51;
	(erf) = vpow2.f32 v55;
	v32 =	vadd.f32 v56, v32  }
0xd3: {  	v60 =	vld [tilespmem:$0x1130];
	v59 =	vpop (erf)  }
0xd4: {  	v61 =	vmul.f32 $1.442695020e+00, v54;
	(erf) = vpow2.f32 v58;
	v32 =	vadd.f32 v59, v32  }
0xd5: {  	v63 =	vld [tilespmem:$0x1140];
	v62 =	vpop (erf)  }
0xd6: {  	v40 =	vmul.f32 $1.442695020e+00, v57;
	(erf) = vpow2.f32 v61;
	v32 =	vadd.f32 v62, v32  }
0xd7: {  	v42 =	vld [tilespmem:$0x1150];
	v41 =	vpop (erf)  }
0xd8: {  	v43 =	vmul.f32 $1.442695020e+00, v60;
	(erf) = vpow2.f32 v40;
	v32 =	vadd.f32 v41, v32  }
0xd9: {  	v45 =	vld [tilespmem:$0x1160];
	v44 =	vpop (erf)  }
0xda: {  	v46 =	vmul.f32 $1.442695020e+00, v63;
	(erf) = vpow2.f32 v43;
	v32 =	vadd.f32 v44, v32  }
0xdb: {  	v48 =	vld [tilespmem:$0x1170];
	v47 =	vpop (erf)  }
0xdc: {  	v49 =	vmul.f32 $1.442695020e+00, v42;
	(erf) = vpow2.f32 v46;
	v32 =	vadd.f32 v47, v32  }
0xdd: {  	v51 =	vld [tilespmem:$0x1180];
	v50 =	vpop (erf)  }
0xde: {  	v52 =	vmul.f32 $1.442695020e+00, v45;
	(erf) = vpow2.f32 v49;
	v32 =	vadd.f32 v50, v32  }
0xdf: {  	v54 =	vld [tilespmem:$0x1190];
	v53 =	vpop (erf)  }
0xe0: {  	v55 =	vmul.f32 $1.442695020e+00, v48;
	(erf) = vpow2.f32 v52;
	v32 =	vadd.f32 v53, v32  }
0xe1: {  	v57 =	vld [tilespmem:$0x11A0];
	v56 =	vpop (erf)  }
0xe2: {  	v58 =	vmul.f32 $1.442695020e+00, v51;
	(erf) = vpow2.f32 v55;
	v32 =	vadd.f32 v56, v32  }
0xe3: {  	v60 =	vld [tilespmem:$0x11B0];
	v59 =	vpop (erf)  }
0xe4: {  	v61 =	vmul.f32 $1.442695020e+00, v54;
	(erf) = vpow2.f32 v58;
	v32 =	vadd.f32 v59, v32  }
0xe5: {  	v63 =	vld [tilespmem:$0x11C0];
	v62 =	vpop (erf)  }
0xe6: {  	v40 =	vmul.f32 $1.442695020e+00, v57;
	(erf) = vpow2.f32 v61;
	v32 =	vadd.f32 v62, v32  }
0xe7: {  	v42 =	vld [tilespmem:$0x11D0];
	v41 =	vpop (erf)  }
0xe8: {  	v43 =	vmul.f32 $1.442695020e+00, v60;
	(erf) = vpow2.f32 v40;
	v32 =	vadd.f32 v41, v32  }
0xe9: {  	v45 =	vld [tilespmem:$0x11E0];
	v44 =	vpop (erf)  }
0xea: {  	v46 =	vmul.f32 $1.442695020e+00, v63;
	(erf) = vpow2.f32 v43;
	v32 =	vadd.f32 v44, v32  }
0xeb: {  	v48 =	vld [tilespmem:$0x11F0];
	v47 =	vpop (erf)  }
0xec: {  	v49 =	vmul.f32 $1.442695020e+00, v42;
	(erf) = vpow2.f32 v46;
	v32 =	vadd.f32 v47, v32  }
0xed: {  	v51 =	vld [tilespmem:$0x1200];
	v50 =	vpop (erf)  }
0xee: {  	v52 =	vmul.f32 $1.442695020e+00, v45;
	(erf) = vpow2.f32 v49;
	v32 =	vadd.f32 v50, v32  }
0xef: {  	v54 =	vld [tilespmem:$0x1210];
	v53 =	vpop (erf)  }
0xf0: {  	v55 =	vmul.f32 $1.442695020e+00, v48;
	(erf) = vpow2.f32 v52;
	v32 =	vadd.f32 v53, v32  }
0xf1: {  	v57 =	vld [tilespmem:$0x1220];
	v56 =	vpop (erf)  }
0xf2: {  	v58 =	vmul.f32 $1.442695020e+00, v51;
	(erf) = vpow2.f32 v55;
	v32 =	vadd.f32 v56, v32  }
0xf3: {  	v60 =	vld [tilespmem:$0x1230];
	v59 =	vpop (erf)  }
0xf4: {  	v61 =	vmul.f32 $1.442695020e+00, v54;
	(erf) = vpow2.f32 v58;
	v32 =	vadd.f32 v59, v32  }
0xf5: {  	v63 =	vld [tilespmem:$0x1240];
	v62 =	vpop (erf)  }
0xf6: {  	v40 =	vmul.f32 $1.442695020e+00, v57;
	(erf) = vpow2.f32 v61;
	v32 =	vadd.f32 v62, v32  }
0xf7: {  	v42 =	vld [tilespmem:$0x1250];
	v41 =	vpop (erf)  }
0xf8: {  	v43 =	vmul.f32 $1.442695020e+00, v60;
	(erf) = vpow2.f32 v40;
	v32 =	vadd.f32 v41, v32  }
0xf9: {  	v45 =	vld [tilespmem:$0x1260];
	v44 =	vpop (erf)  }
0xfa: {  	v46 =	vmul.f32 $1.442695020e+00, v63;
	(erf) = vpow2.f32 v43;
	v32 =	vadd.f32 v44, v32  }
0xfb: {  	v48 =	vld [tilespmem:$0x1270];
	v47 =	vpop (erf)  }
0xfc: {  	v49 =	vmul.f32 $1.442695020e+00, v42;
	(erf) = vpow2.f32 v46;
	v32 =	vadd.f32 v47, v32  }
0xfd: {  	v51 =	vld [tilespmem:$0x1280];
	v50 =	vpop (erf)  }
0xfe: {  	v52 =	vmul.f32 $1.442695020e+00, v45;
	(erf) = vpow2.f32 v49;
	v32 =	vadd.f32 v50, v32  }
0xff: {  	v54 =	vld [tilespmem:$0x1290];
	v53 =	vpop (erf)  }
0x100: {  	v55 =	vmul.f32 $1.442695020e+00, v48;
	(erf) = vpow2.f32 v52;
	v32 =	vadd.f32 v53, v32  }
0x101: {  	v57 =	vld [tilespmem:$0x12A0];
	v56 =	vpop (erf)  }
0x102: {  	v58 =	vmul.f32 $1.442695020e+00, v51;
	(erf) = vpow2.f32 v55;
	v32 =	vadd.f32 v56, v32  }
0x103: {  	v60 =	vld [tilespmem:$0x12B0];
	v59 =	vpop (erf)  }
0x104: {  	v61 =	vmul.f32 $1.442695020e+00, v54;
	(erf) = vpow2.f32 v58;
	v32 =	vadd.f32 v59, v32  }
0x105: {  	v63 =	vld [tilespmem:$0x12C0];
	v62 =	vpop (erf)  }
0x106: {  	v40 =	vmul.f32 $1.442695020e+00, v57;
	(erf) = vpow2.f32 v61;
	v32 =	vadd.f32 v62, v32  }
0x107: {  	v42 =	vld [tilespmem:$0x12D0];
	v41 =	vpop (erf)  }
0x108: {  	v43 =	vmul.f32 $1.442695020e+00, v60;
	(erf) = vpow2.f32 v40;
	v32 =	vadd.f32 v41, v32  }
0x109: {  	v45 =	vld [tilespmem:$0x12E0];
	v44 =	vpop (erf)  }
0x10a: {  	v46 =	vmul.f32 $1.442695020e+00, v63;
	(erf) = vpow2.f32 v43;
	v32 =	vadd.f32 v44, v32  }
0x10b: {  	v48 =	vld [tilespmem:$0x12F0];
	v47 =	vpop (erf)  }
0x10c: {  	v49 =	vmul.f32 $1.442695020e+00, v42;
	(erf) = vpow2.f32 v46;
	v32 =	vadd.f32 v47, v32  }
0x10d: {  	v51 =	vld [tilespmem:$0x1300];
	v50 =	vpop (erf)  }
0x10e: {  	v52 =	vmul.f32 $1.442695020e+00, v45;
	(erf) = vpow2.f32 v49;
	v32 =	vadd.f32 v50, v32  }
0x10f: {  	v54 =	vld [tilespmem:$0x1310];
	v53 =	vpop (erf)  }
0x110: {  	v55 =	vmul.f32 $1.442695020e+00, v48;
	(erf) = vpow2.f32 v52;
	v32 =	vadd.f32 v53, v32  }
0x111: {  	v57 =	vld [tilespmem:$0x1320];
	v56 =	vpop (erf)  }
0x112: {  	v58 =	vmul.f32 $1.442695020e+00, v51;
	(erf) = vpow2.f32 v55;
	v32 =	vadd.f32 v56, v32  }
0x113: {  	v60 =	vld [tilespmem:$0x1330];
	v59 =	vpop (erf)  }
0x114: {  	v61 =	vmul.f32 $1.442695020e+00, v54;
	(erf) = vpow2.f32 v58;
	v32 =	vadd.f32 v59, v32  }
0x115: {  	v63 =	vld [tilespmem:$0x1340];
	v62 =	vpop (erf)  }
0x116: {  	v40 =	vmul.f32 $1.442695020e+00, v57;
	(erf) = vpow2.f32 v61;
	v32 =	vadd.f32 v62, v32  }
0x117: {  	v42 =	vld [tilespmem:$0x1350];
	v41 =	vpop (erf)  }
0x118: {  	v43 =	vmul.f32 $1.442695020e+00, v60;
	(erf) = vpow2.f32 v40;
	v32 =	vadd.f32 v41, v32  }
0x119: {  	v45 =	vld [tilespmem:$0x1360];
	v44 =	vpop (erf)  }
0x11a: {  	v46 =	vmul.f32 $1.442695020e+00, v63;
	(erf) = vpow2.f32 v43;
	v32 =	vadd.f32 v44, v32  }
0x11b: {  	v48 =	vld [tilespmem:$0x1370];
	v47 =	vpop (erf)  }
0x11c: {  	v49 =	vmul.f32 $1.442695020e+00, v42;
	(erf) = vpow2.f32 v46;
	v32 =	vadd.f32 v47, v32  }
0x11d: {  	v51 =	vld [tilespmem:$0x1380];
	v50 =	vpop (erf)  }
0x11e: {  	v52 =	vmul.f32 $1.442695020e+00, v45;
	(erf) = vpow2.f32 v49;
	v32 =	vadd.f32 v50, v32  }
0x11f: {  	v54 =	vld [tilespmem:$0x1390];
	v53 =	vpop (erf)  }
0x120: {  	v55 =	vmul.f32 $1.442695020e+00, v48;
	(erf) = vpow2.f32 v52;
	v32 =	vadd.f32 v53, v32  }
0x121: {  	v57 =	vld [tilespmem:$0x13A0];
	v56 =	vpop (erf)  }
0x122: {  	v58 =	vmul.f32 $1.442695020e+00, v51;
	(erf) = vpow2.f32 v55;
	v32 =	vadd.f32 v56, v32  }
0x123: {  	v60 =	vld [tilespmem:$0x13B0];
	v59 =	vpop (erf)  }
0x124: {  	v61 =	vmul.f32 $1.442695020e+00, v54;
	(erf) = vpow2.f32 v58;
	v32 =	vadd.f32 v59, v32  }
0x125: {  	v63 =	vld [tilespmem:$0x13C0];
	v62 =	vpop (erf)  }
0x126: {  	v40 =	vmul.f32 $1.442695020e+00, v57;
	(erf) = vpow2.f32 v61;
	v32 =	vadd.f32 v62, v32  }
0x127: {  	v42 =	vld [tilespmem:$0x13D0];
	v41 =	vpop (erf)  }
0x128: {  	v43 =	vmul.f32 $1.442695020e+00, v60;
	(erf) = vpow2.f32 v40;
	v32 =	vadd.f32 v41, v32  }
0x129: {  	v45 =	vld [tilespmem:$0x13E0];
	v44 =	vpop (erf)  }
0x12a: {  	v46 =	vmul.f32 $1.442695020e+00, v63;
	(erf) = vpow2.f32 v43;
	v32 =	vadd.f32 v44, v32  }
0x12b: {  	v48 =	vld [tilespmem:$0x13F0];
	v47 =	vpop (erf)  }
0x12c: {  	v49 =	vmul.f32 $1.442695020e+00, v42;
	(erf) = vpow2.f32 v46;
	v32 =	vadd.f32 v47, v32  }
0x12d: {  	v51 =	vld [tilespmem:$0x1400];
	v50 =	vpop (erf)  }
0x12e: {  	v52 =	vmul.f32 $1.442695020e+00, v45;
	(erf) = vpow2.f32 v49;
	v32 =	vadd.f32 v50, v32  }
0x12f: {  	v54 =	vld [tilespmem:$0x1410];
	v53 =	vpop (erf)  }
0x130: {  	v55 =	vmul.f32 $1.442695020e+00, v48;
	(erf) = vpow2.f32 v52;
	v32 =	vadd.f32 v53, v32  }
0x131: {  	v57 =	vld [tilespmem:$0x1420];
	v56 =	vpop (erf)  }
0x132: {  	v58 =	vmul.f32 $1.442695020e+00, v51;
	(erf) = vpow2.f32 v55;
	v32 =	vadd.f32 v56, v32  }
0x133: {  	v60 =	vld [tilespmem:$0x1430];
	v59 =	vpop (erf)  }
0x134: {  	v61 =	vmul.f32 $1.442695020e+00, v54;
	(erf) = vpow2.f32 v58;
	v32 =	vadd.f32 v59, v32  }
0x135: {  	v63 =	vld [tilespmem:$0x1440];
	v62 =	vpop (erf)  }
0x136: {  	v40 =	vmul.f32 $1.442695020e+00, v57;
	(erf) = vpow2.f32 v61;
	v32 =	vadd.f32 v62, v32  }
0x137: {  	v42 =	vld [tilespmem:$0x1450];
	v41 =	vpop (erf)  }
0x138: {  	v43 =	vmul.f32 $1.442695020e+00, v60;
	(erf) = vpow2.f32 v40;
	v32 =	vadd.f32 v41, v32  }
0x139: {  	v45 =	vld [tilespmem:$0x1460];
	v44 =	vpop (erf)  }
0x13a: {  	v46 =	vmul.f32 $1.442695020e+00, v63;
	(erf) = vpow2.f32 v43;
	v32 =	vadd.f32 v44, v32  }
0x13b: {  	v48 =	vld [tilespmem:$0x1470];
	v47 =	vpop (erf)  }
0x13c: {  	v49 =	vmul.f32 $1.442695020e+00, v42;
	(erf) = vpow2.f32 v46;
	v32 =	vadd.f32 v47, v32  }
0x13d: {  	v51 =	vld [tilespmem:$0x1480];
	v50 =	vpop (erf)  }
0x13e: {  	v52 =	vmul.f32 $1.442695020e+00, v45;
	(erf) = vpow2.f32 v49;
	v32 =	vadd.f32 v50, v32  }
0x13f: {  	v54 =	vld [tilespmem:$0x1490];
	v53 =	vpop (erf)  }
0x140: {  	v55 =	vmul.f32 $1.442695020e+00, v48;
	(erf) = vpow2.f32 v52;
	v32 =	vadd.f32 v53, v32  }
0x141: {  	v57 =	vld [tilespmem:$0x14A0];
	v56 =	vpop (erf)  }
0x142: {  	v58 =	vmul.f32 $1.442695020e+00, v51;
	(erf) = vpow2.f32 v55;
	v32 =	vadd.f32 v56, v32  }
0x143: {  	v60 =	vld [tilespmem:$0x14B0];
	v59 =	vpop (erf)  }
0x144: {  	v61 =	vmul.f32 $1.442695020e+00, v54;
	(erf) = vpow2.f32 v58;
	v32 =	vadd.f32 v59, v32  }
0x145: {  	v63 =	vld [tilespmem:$0x14C0];
	v62 =	vpop (erf)  }
0x146: {  	v40 =	vmul.f32 $1.442695020e+00, v57;
	(erf) = vpow2.f32 v61;
	v32 =	vadd.f32 v62, v32  }
0x147: {  	v42 =	vld [tilespmem:$0x14D0];
	v41 =	vpop (erf)  }
0x148: {  	v43 =	vmul.f32 $1.442695020e+00, v60;
	(erf) = vpow2.f32 v40;
	v32 =	vadd.f32 v41, v32  }
0x149: {  	v45 =	vld [tilespmem:$0x14E0];
	v44 =	vpop (erf)  }
0x14a: {  	v46 =	vmul.f32 $1.442695020e+00, v63;
	(erf) = vpow2.f32 v43;
	v32 =	vadd.f32 v44, v32  }
0x14b: {  	v48 =	vld [tilespmem:$0x14F0];
	v47 =	vpop (erf)  }
0x14c: {  	v49 =	vmul.f32 $1.442695020e+00, v42;
	(erf) = vpow2.f32 v46;
	v32 =	vadd.f32 v47, v32  }
0x14d: {  	v51 =	vld [tilespmem:$0x1500];
	v50 =	vpop (erf)  }
0x14e: {  	v52 =	vmul.f32 $1.442695020e+00, v45;
	(erf) = vpow2.f32 v49;
	v32 =	vadd.f32 v50, v32  }
0x14f: {  	v54 =	vld [tilespmem:$0x1510];
	v53 =	vpop (erf)  }
0x150: {  	v55 =	vmul.f32 $1.442695020e+00, v48;
	(erf) = vpow2.f32 v52;
	v32 =	vadd.f32 v53, v32  }
0x151: {  	v57 =	vld [tilespmem:$0x1520];
	v56 =	vpop (erf)  }
0x152: {  	v58 =	vmul.f32 $1.442695020e+00, v51;
	(erf) = vpow2.f32 v55;
	v32 =	vadd.f32 v56, v32  }
0x153: {  	v60 =	vld [tilespmem:$0x1530];
	v59 =	vpop (erf)  }
0x154: {  	v61 =	vmul.f32 $1.442695020e+00, v54;
	(erf) = vpow2.f32 v58;
	v32 =	vadd.f32 v59, v32  }
0x155: {  	v63 =	vld [tilespmem:$0x1540];
	v62 =	vpop (erf)  }
0x156: {  	v40 =	vmul.f32 $1.442695020e+00, v57;
	(erf) = vpow2.f32 v61;
	v32 =	vadd.f32 v62, v32  }
0x157: {  	v42 =	vld [tilespmem:$0x1550];
	v41 =	vpop (erf)  }
0x158: {  	v43 =	vmul.f32 $1.442695020e+00, v60;
	(erf) = vpow2.f32 v40;
	v32 =	vadd.f32 v41, v32  }
0x159: {  	v45 =	vld [tilespmem:$0x1560];
	v44 =	vpop (erf)  }
0x15a: {  	v46 =	vmul.f32 $1.442695020e+00, v63;
	(erf) = vpow2.f32 v43;
	v32 =	vadd.f32 v44, v32  }
0x15b: {  	v48 =	vld [tilespmem:$0x1570];
	v47 =	vpop (erf)  }
0x15c: {  	v49 =	vmul.f32 $1.442695020e+00, v42;
	(erf) = vpow2.f32 v46;
	v32 =	vadd.f32 v47, v32  }
0x15d: {  	v51 =	vld [tilespmem:$0x1580];
	v50 =	vpop (erf)  }
0x15e: {  	v52 =	vmul.f32 $1.442695020e+00, v45;
	(erf) = vpow2.f32 v49;
	v32 =	vadd.f32 v50, v32  }
0x15f: {  	v54 =	vld [tilespmem:$0x1590];
	v53 =	vpop (erf)  }
0x160: {  	v55 =	vmul.f32 $1.442695020e+00, v48;
	(erf) = vpow2.f32 v52;
	v32 =	vadd.f32 v53, v32  }
0x161: {  	v57 =	vld [tilespmem:$0x15A0];
	v56 =	vpop (erf)  }
0x162: {  	v58 =	vmul.f32 $1.442695020e+00, v51;
	(erf) = vpow2.f32 v55;
	v32 =	vadd.f32 v56, v32  }
0x163: {  	v60 =	vld [tilespmem:$0x15B0];
	v59 =	vpop (erf)  }
0x164: {  	v61 =	vmul.f32 $1.442695020e+00, v54;
	(erf) = vpow2.f32 v58;
	v32 =	vadd.f32 v59, v32  }
0x165: {  	v63 =	vld [tilespmem:$0x15C0];
	v62 =	vpop (erf)  }
0x166: {  	v40 =	vmul.f32 $1.442695020e+00, v57;
	(erf) = vpow2.f32 v61;
	v32 =	vadd.f32 v62, v32  }
0x167: {  	v42 =	vld [tilespmem:$0x15D0];
	v41 =	vpop (erf)  }
0x168: {  	v43 =	vmul.f32 $1.442695020e+00, v60;
	(erf) = vpow2.f32 v40;
	v32 =	vadd.f32 v41, v32  }
0x169: {  	v45 =	vld [tilespmem:$0x15E0];
	v44 =	vpop (erf)  }
0x16a: {  	v46 =	vmul.f32 $1.442695020e+00, v63;
	(erf) = vpow2.f32 v43;
	v32 =	vadd.f32 v44, v32  }
0x16b: {  	v48 =	vld [tilespmem:$0x15F0];
	v47 =	vpop (erf)  }
0x16c: {  	v49 =	vmul.f32 $1.442695020e+00, v42;
	(erf) = vpow2.f32 v46;
	v32 =	vadd.f32 v47, v32  }
0x16d: {  	v51 =	vld [tilespmem:$0x1600];
	v50 =	vpop (erf)  }
0x16e: {  	v52 =	vmul.f32 $1.442695020e+00, v45;
	(erf) = vpow2.f32 v49;
	v32 =	vadd.f32 v50, v32  }
0x16f: {  	v54 =	vld [tilespmem:$0x1610];
	v53 =	vpop (erf)  }
0x170: {  	v55 =	vmul.f32 $1.442695020e+00, v48;
	(erf) = vpow2.f32 v52;
	v32 =	vadd.f32 v53, v32  }
0x171: {  	v57 =	vld [tilespmem:$0x1620];
	v56 =	vpop (erf)  }
0x172: {  	v58 =	vmul.f32 $1.442695020e+00, v51;
	(erf) = vpow2.f32 v55;
	v32 =	vadd.f32 v56, v32  }
0x173: {  	v60 =	vld [tilespmem:$0x1630];
	v59 =	vpop (erf)  }
0x174: {  	v61 =	vmul.f32 $1.442695020e+00, v54;
	(erf) = vpow2.f32 v58;
	v32 =	vadd.f32 v59, v32  }
0x175: {  	v63 =	vld [tilespmem:$0x1640];
	v62 =	vpop (erf)  }
0x176: {  	v40 =	vmul.f32 $1.442695020e+00, v57;
	(erf) = vpow2.f32 v61;
	v32 =	vadd.f32 v62, v32  }
0x177: {  	v42 =	vld [tilespmem:$0x1650];
	v41 =	vpop (erf)  }
0x178: {  	v43 =	vmul.f32 $1.442695020e+00, v60;
	(erf) = vpow2.f32 v40;
	v32 =	vadd.f32 v41, v32  }
0x179: {  	v45 =	vld [tilespmem:$0x1660];
	v44 =	vpop (erf)  }
0x17a: {  	v46 =	vmul.f32 $1.442695020e+00, v63;
	(erf) = vpow2.f32 v43;
	v32 =	vadd.f32 v44, v32  }
0x17b: {  	v48 =	vld [tilespmem:$0x1670];
	v47 =	vpop (erf)  }
0x17c: {  	v49 =	vmul.f32 $1.442695020e+00, v42;
	(erf) = vpow2.f32 v46;
	v32 =	vadd.f32 v47, v32  }
0x17d: {  	v31 =	vadd.f32 $0.0e+00, v31;
	v51 =	vld [tilespmem:$0x1680];
	v50 =	vpop (erf)  }
0x17e: {  	v52 =	vmul.f32 $1.442695020e+00, v45;
	(erf) = vpow2.f32 v49;
	v32 =	vadd.f32 v50, v32  }
0x17f: {  	v30 =	vadd.f32 v30, v31;
	v54 =	vld [tilespmem:$0x1690];
	v53 =	vpop (erf)  }
0x180: {  	v55 =	vmul.f32 $1.442695020e+00, v48;
	(erf) = vpow2.f32 v52;
	v32 =	vadd.f32 v53, v32  }
0x181: {  	v29 =	vadd.f32 v29, v30;
	v57 =	vld [tilespmem:$0x16A0];
	v56 =	vpop (erf)  }
0x182: {  	v58 =	vmul.f32 $1.442695020e+00, v51;
	(erf) = vpow2.f32 v55;
	v31 =	vadd.f32 v56, v32  }
0x183: {  	v28 =	vadd.f32 v28, v29;
	v60 =	vld [tilespmem:$0x16B0];
	v59 =	vpop (erf)  }
0x184: {  	v61 =	vmul.f32 $1.442695020e+00, v54;
	(erf) = vpow2.f32 v58;
	v30 =	vadd.f32 v59, v31  }
0x185: {  	v27 =	vadd.f32 v27, v28;
	v63 =	vld [tilespmem:$0x16C0];
	v62 =	vpop (erf)  }
0x186: {  	v34 =	vmul.f32 $1.442695020e+00, v57;
	(erf) = vpow2.f32 v61;
	v29 =	vadd.f32 v62, v30  }
0x187: {  	v26 =	vadd.f32 v26, v27;
	v36 =	vld [tilespmem:$0x16D0];
	v35 =	vpop (erf)  }
0x188: {  	v37 =	vmul.f32 $1.442695020e+00, v60;
	(erf) = vpow2.f32 v34;
	v28 =	vadd.f32 v35, v29  }
0x189: {  	v25 =	vadd.f32 v25, v26;
	v39 =	vld [tilespmem:$0x16E0];
	v38 =	vpop (erf)  }
0x18a: {  	v40 =	vmul.f32 $1.442695020e+00, v63;
	(erf) = vpow2.f32 v37;
	v27 =	vadd.f32 v38, v28  }
0x18b: {  	v24 =	vadd.f32 v24, v25;
	v42 =	vld [tilespmem:$0x16F0];
	v41 =	vpop (erf)  }
0x18c: {  	v43 =	vmul.f32 $1.442695020e+00, v36;
	(erf) = vpow2.f32 v40;
	v26 =	vadd.f32 v41, v27  }
0x18d: {  	v23 =	vadd.f32 v23, v24;
	v45 =	vld [tilespmem:$0x1700];
	v44 =	vpop (erf)  }
0x18e: {  	v46 =	vmul.f32 $1.442695020e+00, v39;
	(erf) = vpow2.f32 v43;
	v25 =	vadd.f32 v44, v26  }
0x18f: {  	v20 =	vadd.f32 v20, v23;
	v48 =	vld [tilespmem:$0x1710];
	v47 =	vpop (erf)  }
0x190: {  	v49 =	vmul.f32 $1.442695020e+00, v42;
	(erf) = vpow2.f32 v46;
	v24 =	vadd.f32 v47, v25  }
0x191: {  	v17 =	vadd.f32 v17, v20;
	v51 =	vld [tilespmem:$0x1720];
	v50 =	vpop (erf)  }
0x192: {  	v52 =	vmul.f32 $1.442695020e+00, v45;
	(erf) = vpow2.f32 v49;
	v23 =	vadd.f32 v50, v24  }
0x193: {  	v15 =	vadd.f32 v15, v17;
	v54 =	vld [tilespmem:$0x1730];
	v53 =	vpop (erf)  }
0x194: {  	v55 =	vmul.f32 $1.442695020e+00, v48;
	(erf) = vpow2.f32 v52;
	v20 =	vadd.f32 v53, v23  }
0x195: {  	v14 =	vadd.f32 v14, v15;
	v57 =	vld [tilespmem:$0x1740];
	v56 =	vpop (erf)  }
0x196: {  	v58 =	vmul.f32 $1.442695020e+00, v51;
	(erf) = vpow2.f32 v55;
	v17 =	vadd.f32 v56, v20  }
0x197: {  	v13 =	vadd.f32 v13, v14;
	v60 =	vld [tilespmem:$0x1750];
	v59 =	vpop (erf)  }
0x198: {  	v61 =	vmul.f32 $1.442695020e+00, v54;
	(erf) = vpow2.f32 v58;
	v15 =	vadd.f32 v59, v17  }
0x199: {  	v12 =	vadd.f32 v12, v13;
	v63 =	vld [tilespmem:$0x1760];
	v62 =	vpop (erf)  }
0x19a: {  	(erf) = vpow2.f32 v61;
	v25 =	vmul.f32 $1.442695020e+00, v57;
	v14 =	vadd.f32 v62, v15  }
0x19b: {  	v11 =	vadd.f32 v11, v12;
	v27 =	vld [tilespmem:$0x1770];
	v26 =	vpop (erf)  }
0x19c: {  	v28 =	vmul.f32 $1.442695020e+00, v60;
	(erf) = vpow2.f32 v25;
	v13 =	vadd.f32 v26, v14  }
0x19d: {  	v10 =	vadd.f32 v10, v11;
	v30 =	vld [tilespmem:$0x1780];
	v29 =	vpop (erf)  }
0x19e: {  	v31 =	vmul.f32 $1.442695020e+00, v63;
	(erf) = vpow2.f32 v28;
	v12 =	vadd.f32 v29, v13  }
0x19f: {  	v9 =	vadd.f32 v9, v10;
	v33 =	vld [tilespmem:$0x1790];
	v32 =	vpop (erf)  }
0x1a0: {  	v34 =	vmul.f32 $1.442695020e+00, v27;
	(erf) = vpow2.f32 v31;
	v11 =	vadd.f32 v32, v12  }
0x1a1: {  	v8 =	vadd.f32 v8, v9;
	v36 =	vld [tilespmem:$0x17A0];
	v35 =	vpop (erf)  }
0x1a2: {  	v37 =	vmul.f32 $1.442695020e+00, v30;
	(erf) = vpow2.f32 v34;
	v10 =	vadd.f32 v35, v11  }
0x1a3: {  	v7 =	vadd.f32 v7, v8;
	v39 =	vld [tilespmem:$0x17B0];
	v38 =	vpop (erf)  }
0x1a4: {  	v40 =	vmul.f32 $1.442695020e+00, v33;
	(erf) = vpow2.f32 v37;
	v9 =	vadd.f32 v38, v10  }
0x1a5: {  	v6 =	vadd.f32 v6, v7;
	v42 =	vld [tilespmem:$0x17C0];
	v41 =	vpop (erf)  }
0x1a6: {  	v43 =	vmul.f32 $1.442695020e+00, v36;
	(erf) = vpow2.f32 v40;
	v8 =	vadd.f32 v41, v9  }
0x1a7: {  	v5 =	vadd.f32 v5, v6;
	v45 =	vld [tilespmem:$0x17D0];
	v44 =	vpop (erf)  }
0x1a8: {  	v46 =	vmul.f32 $1.442695020e+00, v39;
	(erf) = vpow2.f32 v43;
	v7 =	vadd.f32 v44, v8  }
0x1a9: {  	v4 =	vadd.f32 v4, v5;
	v48 =	vld [tilespmem:$0x17E0];
	v47 =	vpop (erf)  }
0x1aa: {  	v49 =	vmul.f32 $1.442695020e+00, v42;
	(erf) = vpow2.f32 v46;
	v6 =	vadd.f32 v47, v7  }
0x1ab: {  	v3 =	vadd.f32 v3, v4;
	v51 =	vld [tilespmem:$0x17F0];
	v50 =	vpop (erf)  }
0x1ac: {  	v52 =	vmul.f32 $1.442695020e+00, v45;
	(erf) = vpow2.f32 v49;
	v5 =	vadd.f32 v50, v6  }
0x1ad: {  	v2 =	vadd.f32 v2, v3;
	v53 =	vpop (erf)  }
0x1ae: {  	v54 =	vmul.f32 $1.442695020e+00, v48;
	(erf) = vpow2.f32 v52;
	v4 =	vadd.f32 v53, v5  }
0x1af: {  	v1 =	vadd.f32 v1, v2;
	v55 =	vpop (erf)  }
0x1b0: {  	v56 =	vmul.f32 $1.442695020e+00, v51;
	(erf) = vpow2.f32 v54;
	v3 =	vadd.f32 v55, v4  }
0x1b1: {  	v0 =	vadd.f32 v0, v1;
	v57 =	vpop (erf)  }
0x1b2: {  	(erf) = vpow2.f32 v56;
	v2 =	vadd.f32 v57, v3  }
0x1b3: {  	v0 =	vadd.f32 v21, v0;
	v58 =	vpop (erf)  }
0x1b4: {  	v59 =	vadd.f32 v58, v2  }
0x1b5: {  	v0 =	vadd.f32 v18, v0;
	v60 =	vpop (erf)  }
0x1b6: {  	v1 =	vadd.f32 v60, v59  }
0x1b7: {  	v0 =	vadd.f32 v16, v0;
	v61 =	vpop (erf)  }
0x1b8: {  	v1 =	vadd.f32 v61, v1  }
0x1b9: {  	v0 =	vadd.f32 v19, v0;
	v62 =	vpop (erf)  }
0x1ba: {  	v1 =	vadd.f32 v62, v1  }
0x1bb: {  	v0 =	vadd.f32 v22, v0;
	v63 =	vpop (erf)  }
0x1bc: {  	v1 =	vadd.f32 v63, v1  }
0x1bd: {  	p0 =	sne.s32 s11, $0x1;
	[tilespmem:$0x1810] =	vst v0  }
.Ltmp0:
0x1be: {  	[tilespmem:$0x1800] =	vst v1;
	(pc) =	sbr.rel @p0 .LBB2_1-.Ltmp0, $4  }
0x1bf: {  	[hbm4b:s10+s2] =	stream.linear.scatter [tilespmem:s21], [sflag:$0x3], $0x80, $0x38;
	[tilespmem:$0x1880] =	vst v63  }
0x1c0: {  	_ =	swait.ge [sflag:s22], $0x80  }
0x1c1: {  	[sflag:s22] =	ssyncset.done $0x0  }
0x1c2: {  	s11 =	sadd.s32 $0xFFFFFFFF, s11;
	[sflag:s22] =	ssyncadd.s32 $0xFFFFFF80  }
0x1c3: {  	_ =	sfence.sel $0x180000  }
0x1c4: {  	[bflag:$0x0] =	sbarrier.arrive $0xFFFF  }
0x1c5: {  	p0 =	sne.s32 s1, $0x0;
	_ =	strace $0x90000047  }
0x1c6: {  	s0 =	sadd.s32 @!p0 $0x100000, s0;
	[bflag:$0x2] =	sbarrier.arrive $0xFFFF  }
0x1c7: {  	[sflag:s0] =	ssyncadd.tile.s32 @!p0 $0x1;
	_ =	shalt  }
.Lfunc_end2:
_tile_overlayer_lowered:
.L_overlay_start_2:
0x1c8: {  	(tag) =	ssettag $0x2  }
0x1c9: {  	s0 =	rddreg [dreg:$0x0];
	s2 =	stileid.u32  }
0x1ca: {  	s1 =	rddreg [dreg:$0x1];
	p0 =	sne.s32 s2, $0x0  }
0x1cb: {  	s3 =	rddreg [dreg:$0x2];
	[bflag:$0x3] =	sbarrier.arrive $0xFFFF;
	s2 =	simm.s32 @!p0 $0x1C03  }
0x1cc: {  	[timem:s3], [sflag:s2] =	dma.local @!p0 [hbm:s0], s1  }
0x1cd: {  	s0 =	simm.s32 @!p0 $0x3  }
0x1ce: {  	_ =	swait.ge @!p0 [sflag:s0], s1  }
0x1cf: {  	s1 =	ssub.s32 @!p0 $0x0, s1;
	[sflag:s0] =	ssyncset.done @!p0 $0x0  }
0x1d0: {  	[sflag:s0] =	ssyncadd.s32 @!p0 s1  }
0x1d1: {  	[bflag:$0x3] =	sbarrier.arrive $0xFFFF  }
0x1d2: {  	_ =	shalt  }

</sc_bundles>
